<compile_context>
chip_gen: v7x
topology: tpu7x:2x2x1
jax: 0.10.2.dev20260603
libtpu: 0.0.44.dev20260713+nightly
codegen_flags: <defaults>
</compile_context>

<pallas_src>
import functools

import jax
import jax.numpy as jnp
from jax import lax
from jax.experimental import pallas as pl
from jax.experimental.pallas import tpu as pltpu
from jax.experimental.pallas import tpu_sc as plsc

_N = 100000
_NSEG = 16
_C1 = 6400
_C2 = 3200
_L = 16

_mesh = plsc.VectorSubcoreMesh(core_axis_name="c", subcore_axis_name="s")


@functools.partial(
    pl.kernel,
    mesh=_mesh,
    compiler_params=pltpu.CompilerParams(needs_layout_passes=False),
    out_type=jax.ShapeDtypeStruct((_N,), jnp.float32),
    scratch_types=[
        pltpu.VMEM((_C1,), jnp.float32),
        pltpu.VMEM((_C2,), jnp.float32),
        pltpu.VMEM((2 * _L,), jnp.int32),
        pltpu.VMEM((_L,), jnp.float32),
        pltpu.VMEM((_L,), jnp.float32),
        pltpu.VMEM((16 * _L,), jnp.float32),
        pltpu.VMEM_SHARED((16 * _L,), jnp.float32),
        pltpu.SemaphoreType.DMA,
    ],
)
def _filtration_kernel(deg_hbm, pos_hbm, out_hbm,
                       chunk_v, out_v, pos_v, stage_v, inv_v, allp_v,
                       shared, sem):
    c = lax.axis_index("c")
    s = lax.axis_index("s")
    base1 = s * _C1
    last1 = s == (_NSEG - 1)

    pos_cp = pltpu.async_copy(pos_hbm.at[pl.ds(0, _L)],
                              pos_v.at[pl.ds(0, _L)], sem)

    @pl.when(jnp.logical_not(last1))
    def _():
        pltpu.sync_copy(deg_hbm.at[pl.ds(base1, _C1)], chunk_v)

    @pl.when(last1)
    def _():
        pltpu.sync_copy(deg_hbm.at[pl.ds(_N - 4000, 4000)],
                        chunk_v.at[pl.ds(0, 4000)])

    pos_cp.wait()

    iota = lax.iota(jnp.int32, _L)
    ninf = jnp.full((_L,), -jnp.inf, dtype=jnp.float32)

    pos_vec = pos_v[pl.ds(0, _L)]
    pos_v[pl.ds(_L, _L)] = jnp.full((_L,), _N, dtype=jnp.int32)

    def seg_range(base, w):
        cnt_lo = plsc.all_reduce_population_count(pos_vec <= base)
        cnt_hi = plsc.all_reduce_population_count(pos_vec < base + w)
        return cnt_lo[0] - 1, cnt_hi[0] - 1

    w1 = jnp.where(last1, 4000, _C1)

    sf1, sl1 = seg_range(base1, w1)

    def seg_body(seg, pvec):
        pp = plsc.load_gather(pos_v, [seg + jnp.minimum(iota, 1)])
        lo = jnp.clip(pp[0] - base1, 0, w1)
        hi = jnp.clip(pp[1] - base1, lo, w1)

        def seg_max(lo=lo, hi=hi):
            def masked_max(acc, j):
                v = chunk_v[pl.ds(j * _L, _L)]
                idx = j * _L + iota
                m = (idx >= lo) & (idx < hi)
                return jnp.maximum(acc, jnp.where(m, v, ninf))

            acc = masked_max(ninf, lo // _L)
            acc = masked_max(acc, (hi - 1) // _L)
            a = (lo + _L - 1) // _L
            b = jnp.maximum(a, hi // _L)

            def body(j, acc):
                return jnp.maximum(acc, chunk_v[pl.ds(j * _L, _L)])

            acc = plsc.parallel_loop(a, b, 1, unroll=8, carry=acc)(body)
            return jnp.max(acc)

        segmax = lax.cond(lo < hi, seg_max, lambda: -jnp.inf)
        return jnp.where(iota == seg, segmax, pvec)

    pvec = lax.fori_loop(sf1, sl1 + 1, seg_body, ninf)

    stage_v[...] = pvec
    pltpu.sync_copy(stage_v, shared.at[pl.ds(s * _L, _L)])
    plsc.subcore_barrier()
    pltpu.sync_copy(shared, allp_v)
    gmax = ninf
    for r in range(16):
        gmax = jnp.maximum(gmax, allp_v[pl.ds(r * _L, _L)])
    inv_v[...] = 1.0 / gmax

    off = c * _C2
    base2 = base1 + off
    last2 = last1 & (c == 1)
    w2 = jnp.where(last2, 800, _C2)
    sf2, sl2 = seg_range(base2, w2)

    def seg_body2(seg, carry):
        pp = plsc.load_gather(pos_v, [seg + jnp.minimum(iota, 1)])
        lo = jnp.clip(pp[0] - base2, 0, w2)
        hi = jnp.clip(pp[1] - base2, lo, w2)
        scale = plsc.load_gather(inv_v, [jnp.broadcast_to(seg, (_L,))])

        @pl.when(lo < hi)
        def _(lo=lo, hi=hi, scale=scale):
            def edge(j):
                v = chunk_v[pl.ds(off + j * _L, _L)]
                idx = j * _L + iota
                m = (idx >= lo) & (idx < hi)
                cur = out_v[pl.ds(j * _L, _L)]
                out_v[pl.ds(j * _L, _L)] = jnp.where(m, v * scale, cur)

            edge(lo // _L)
            edge((hi - 1) // _L)

            a = (lo + _L - 1) // _L
            b = jnp.maximum(a, hi // _L)

            def body2(j):
                out_v[pl.ds(j * _L, _L)] = (
                    chunk_v[pl.ds(off + j * _L, _L)] * scale)

            plsc.parallel_loop(a, b, 1, unroll=8)(body2)

        return carry

    lax.fori_loop(sf2, sl2 + 1, seg_body2, 0)

    @pl.when(jnp.logical_not(last2))
    def _():
        pltpu.sync_copy(out_v, out_hbm.at[pl.ds(base2, _C2)])

    @pl.when(last2)
    def _():
        pltpu.sync_copy(out_v.at[pl.ds(0, 800)],
                        out_hbm.at[pl.ds(_N - 800, 800)])


def kernel(node_deg, sample_pos):
    return _filtration_kernel(node_deg.astype(jnp.float32),
                              sample_pos.astype(jnp.int32))

# --- scband reference (transcript-rebuilt; emitter-appended) ---
"""Pipeline reference for scband-degree-only-filtration-23665269801452 (READ-ONLY COPY).

The authoritative reference and input builder live on the scoring server;
editing this copy changes nothing except your own understanding.
"""

import jax, jax.numpy as jnp
import numpy as np

N_NODES = 100000
N_GRAPHS = 16


def setup_inputs(seed: int = 0) -> dict:
    key = jax.random.key(seed)
    k1, k2 = jax.random.split(key)
    # node degrees in [1, 64] stored as float (module casts .float() anyway)
    node_deg = jax.random.randint(k1, (N_NODES,), 1, 65).astype(jnp.float32)
    # sample_pos: cumulative graph boundaries, first=0, last=N_NODES, interior sorted
    interior = jnp.sort(jax.random.randint(k2, (N_GRAPHS - 1,), 1, N_NODES))
    sample_pos = jnp.concatenate([
        jnp.zeros((1,), dtype=jnp.int64),
        interior.astype(jnp.int64),
        jnp.full((1,), N_NODES, dtype=jnp.int64),
    ])
    return {"node_deg": node_deg, "sample_pos": sample_pos}


def reference(node_deg, sample_pos):
    # Faithful translation of the per-segment loop:
    #   for each segment [i, j): max_deg over node_deg[i:j], broadcast to segment, then
    #   normalized = node_deg / max_deg
    N = node_deg.shape[0]
    num_segments = sample_pos.shape[0] - 1
    # segment id of each node: i such that sample_pos[i] <= k < sample_pos[i+1]
    seg_ids = jnp.searchsorted(sample_pos, jnp.arange(N), side="right") - 1
    nd = node_deg.astype(jnp.float32)
    seg_max = jax.ops.segment_max(nd, seg_ids, num_segments=num_segments)
    max_deg = seg_max[seg_ids]
    normalized_node_deg = nd / max_deg
    return normalized_node_deg

if __name__ == "__main__":
    import jax
    _d = setup_inputs()
    print(jax.jit(kernel)(*tuple(_d.values())))

</pallas_src>

<mosaic_0001>
#map = affine_map<(d0, d1) -> (0)>
module attributes {stable_mosaic.version = 14 : i64} {
  func.func @_filtration_kernel(%arg0: i32, %arg1: i32, %arg2: memref<100000xf32, #tpu.memory_space<hbm>>, %arg3: memref<17xi32, #tpu.memory_space<hbm>>, %arg4: memref<100000xf32, #tpu.memory_space<hbm>>, %arg5: memref<6400xf32, #tpu.memory_space<vmem>>, %arg6: memref<3200xf32, #tpu.memory_space<vmem>>, %arg7: memref<32xi32, #tpu.memory_space<vmem>>, %arg8: memref<16xf32, #tpu.memory_space<vmem>>, %arg9: memref<16xf32, #tpu.memory_space<vmem>>, %arg10: memref<256xf32, #tpu.memory_space<vmem>>, %arg11: memref<256xf32, #tpu.memory_space<vmem_shared>>, %arg12: memref<!tpu.dma_semaphore, #tpu.memory_space<semaphore_mem>>) attributes {dimension_semantics = [#tpu.dimension_semantics<core_parallel>, #tpu.dimension_semantics<subcore_parallel>], iteration_bounds = array<i64: 2, 16>, scalar_prefetch = 0 : i64, scratch_operands = 8 : i64, tpu.core_type = #tpu.core_type<sc_vector_subcore>, window_params = [{transform_indices = #map}, {transform_indices = #map}, {transform_indices = #map}]} {
    %mul3A = arith.constant 6400 : i32
    %mul3A_0 = arith.muli %arg1, %mul3A : i32
    %eq3A = arith.constant 15 : i32
    %eq3A_1 = arith.cmpi eq, %arg1, %eq3A : i32
    %dma_start3A = arith.constant 0 : i32
    %dma_start3A_2 = tpu.memref_slice %arg7[%dma_start3A] : memref<32xi32, #tpu.memory_space<vmem>> -> memref<16xi32, #tpu.memory_space<vmem>>
    %dma_start3A_3 = arith.constant 0 : i32
    %dma_start3A_4 = tpu.memref_slice %arg3[%dma_start3A_3] : memref<17xi32, #tpu.memory_space<hbm>> -> memref<16xi32, #tpu.memory_space<hbm>>
    %dma_start3A_5 = arith.constant 0 : i32
    %dma_start3A_6 = tpu.memref_slice %arg7[%dma_start3A_5] : memref<32xi32, #tpu.memory_space<vmem>> -> memref<16xi32, #tpu.memory_space<vmem>>
    %dma_start3A_7 = arith.constant 0 : i32
    %dma_start3A_8 = tpu.memref_slice %arg3[%dma_start3A_7] : memref<17xi32, #tpu.memory_space<hbm>> -> memref<16xi32, #tpu.memory_space<hbm>>
    tpu.enqueue_dma source(%dma_start3A_8 : memref<16xi32, #tpu.memory_space<hbm>>) target(%dma_start3A_6 : memref<16xi32, #tpu.memory_space<vmem>>) target_semaphore(%arg12 : memref<!tpu.dma_semaphore, #tpu.memory_space<semaphore_mem>>)
    %not3A = arith.constant true
    %not3A_9 = arith.xori %eq3A_1, %not3A : i1
    %convert_element_type3A = arith.extui %not3A_9 : i1 to i32
    %cond3A = arith.constant 0 : i32
    %cond3A_10 = arith.cmpi ne, %convert_element_type3A, %cond3A : i32
    scf.if %cond3A_10 {
      "tpu.region"() ({
        %run_scoped3A = tpu.sem_alloc : memref<!tpu.dma_semaphore, #tpu.memory_space<semaphore_mem>>
        %dma_start3A_143 = tpu.memref_slice %arg2[%mul3A_0] : memref<100000xf32, #tpu.memory_space<hbm>> -> memref<6400xf32, #tpu.memory_space<hbm>>
        %dma_start3A_144 = tpu.memref_slice %arg2[%mul3A_0] : memref<100000xf32, #tpu.memory_space<hbm>> -> memref<6400xf32, #tpu.memory_space<hbm>>
        tpu.enqueue_dma source(%dma_start3A_144 : memref<6400xf32, #tpu.memory_space<hbm>>) target(%arg5 : memref<6400xf32, #tpu.memory_space<vmem>>) target_semaphore(%run_scoped3A : memref<!tpu.dma_semaphore, #tpu.memory_space<semaphore_mem>>)
        %dma_wait3A_145 = tpu.memref_slice %arg2[%mul3A_0] : memref<100000xf32, #tpu.memory_space<hbm>> -> memref<6400xf32, #tpu.memory_space<hbm>>
        %dma_wait3A_146 = tpu.memref_slice %arg2[%mul3A_0] : memref<100000xf32, #tpu.memory_space<hbm>> -> memref<6400xf32, #tpu.memory_space<hbm>>
        tpu.wait_dma2 semaphore(%run_scoped3A : memref<!tpu.dma_semaphore, #tpu.memory_space<semaphore_mem>>) src(%dma_wait3A_146 : memref<6400xf32, #tpu.memory_space<hbm>>) dst(%arg5 : memref<6400xf32, #tpu.memory_space<vmem>>)
        tpu.yield
      }) : () -> ()
    } else {
    }
    %convert_element_type3A_11 = arith.extui %eq3A_1 : i1 to i32
    %cond3A_12 = arith.constant 0 : i32
    %cond3A_13 = arith.cmpi ne, %convert_element_type3A_11, %cond3A_12 : i32
    scf.if %cond3A_13 {
      "tpu.region"() ({
        %run_scoped3A = tpu.sem_alloc : memref<!tpu.dma_semaphore, #tpu.memory_space<semaphore_mem>>
        %dma_start3A_143 = arith.constant 0 : i32
        %dma_start3A_144 = tpu.memref_slice %arg5[%dma_start3A_143] : memref<6400xf32, #tpu.memory_space<vmem>> -> memref<4000xf32, #tpu.memory_space<vmem>>
        %dma_start3A_145 = arith.constant 96000 : i32
        %dma_start3A_146 = tpu.memref_slice %arg2[%dma_start3A_145] : memref<100000xf32, #tpu.memory_space<hbm>> -> memref<4000xf32, #tpu.memory_space<hbm>>
        %dma_start3A_147 = arith.constant 0 : i32
        %dma_start3A_148 = tpu.memref_slice %arg5[%dma_start3A_147] : memref<6400xf32, #tpu.memory_space<vmem>> -> memref<4000xf32, #tpu.memory_space<vmem>>
        %dma_start3A_149 = arith.constant 96000 : i32
        %dma_start3A_150 = tpu.memref_slice %arg2[%dma_start3A_149] : memref<100000xf32, #tpu.memory_space<hbm>> -> memref<4000xf32, #tpu.memory_space<hbm>>
        tpu.enqueue_dma source(%dma_start3A_150 : memref<4000xf32, #tpu.memory_space<hbm>>) target(%dma_start3A_148 : memref<4000xf32, #tpu.memory_space<vmem>>) target_semaphore(%run_scoped3A : memref<!tpu.dma_semaphore, #tpu.memory_space<semaphore_mem>>)
        %dma_wait3A_151 = arith.constant 0 : i32
        %dma_wait3A_152 = tpu.memref_slice %arg5[%dma_wait3A_151] : memref<6400xf32, #tpu.memory_space<vmem>> -> memref<4000xf32, #tpu.memory_space<vmem>>
        %dma_wait3A_153 = arith.constant 96000 : i32
        %dma_wait3A_154 = tpu.memref_slice %arg2[%dma_wait3A_153] : memref<100000xf32, #tpu.memory_space<hbm>> -> memref<4000xf32, #tpu.memory_space<hbm>>
        %dma_wait3A_155 = arith.constant 0 : i32
        %dma_wait3A_156 = tpu.memref_slice %arg5[%dma_wait3A_155] : memref<6400xf32, #tpu.memory_space<vmem>> -> memref<4000xf32, #tpu.memory_space<vmem>>
        %dma_wait3A_157 = arith.constant 96000 : i32
        %dma_wait3A_158 = tpu.memref_slice %arg2[%dma_wait3A_157] : memref<100000xf32, #tpu.memory_space<hbm>> -> memref<4000xf32, #tpu.memory_space<hbm>>
        tpu.wait_dma2 semaphore(%run_scoped3A : memref<!tpu.dma_semaphore, #tpu.memory_space<semaphore_mem>>) src(%dma_wait3A_158 : memref<4000xf32, #tpu.memory_space<hbm>>) dst(%dma_wait3A_156 : memref<4000xf32, #tpu.memory_space<vmem>>)
        tpu.yield
      }) : () -> ()
    } else {
    }
    %dma_wait3A = arith.constant 0 : i32
    %dma_wait3A_14 = tpu.memref_slice %arg7[%dma_wait3A] : memref<32xi32, #tpu.memory_space<vmem>> -> memref<16xi32, #tpu.memory_space<vmem>>
    %dma_wait3A_15 = arith.constant 0 : i32
    %dma_wait3A_16 = tpu.memref_slice %arg3[%dma_wait3A_15] : memref<17xi32, #tpu.memory_space<hbm>> -> memref<16xi32, #tpu.memory_space<hbm>>
    %dma_wait3A_17 = arith.constant 0 : i32
    %dma_wait3A_18 = tpu.memref_slice %arg7[%dma_wait3A_17] : memref<32xi32, #tpu.memory_space<vmem>> -> memref<16xi32, #tpu.memory_space<vmem>>
    %dma_wait3A_19 = arith.constant 0 : i32
    %dma_wait3A_20 = tpu.memref_slice %arg3[%dma_wait3A_19] : memref<17xi32, #tpu.memory_space<hbm>> -> memref<16xi32, #tpu.memory_space<hbm>>
    tpu.wait_dma2 semaphore(%arg12 : memref<!tpu.dma_semaphore, #tpu.memory_space<semaphore_mem>>) src(%dma_wait3A_20 : memref<16xi32, #tpu.memory_space<hbm>>) dst(%dma_wait3A_18 : memref<16xi32, #tpu.memory_space<vmem>>)
    %iota3A = tpu.iota {dimensions = array<i32: 0>} : vector<16xi32>
    %broadcast_in_dim3A = arith.constant 0xFF800000 : f32
    %broadcast_in_dim3A_21 = vector.broadcast %broadcast_in_dim3A : f32 to vector<16xf32>
    %get3A = arith.constant 0 : index
    %get3A_22 = tpu.vector_load %arg7[%get3A] {strides = array<i32>} : memref<32xi32, #tpu.memory_space<vmem>>, vector<16xi32>,
    %broadcast_in_dim3A_23 = arith.constant 100000 : i32
    %broadcast_in_dim3A_24 = vector.broadcast %broadcast_in_dim3A_23 : i32 to vector<16xi32>
    %swap3A = arith.constant 16 : index
    %swap3A_25 = tpu.vector_load %arg7[%swap3A] {strides = array<i32>} : memref<32xi32, #tpu.memory_space<vmem>>, vector<16xi32>,
    tpu.vector_store %arg7[%swap3A], %broadcast_in_dim3A_24 {strides = array<i32>} : memref<32xi32, #tpu.memory_space<vmem>>, vector<16xi32>,
    %jit3A = arith.constant 4000 : i32
    %jit3A_26 = arith.constant 6400 : i32
    %select_n3A = arith.select %eq3A_1, %jit3A, %jit3A_26 : i32
    %le3A = vector.broadcast %mul3A_0 : i32 to vector<16xi32>
    %le3A_27 = arith.cmpi sle, %get3A_22, %le3A : vector<16xi32>
    %all_reduce_population_count3A = tpu.all_reduce %le3A_27 {dim = 0 : i64, kind = #tpu.reduction_kind<sum>} : vector<16xi1> -> vector<16xi32>
    %add3A = arith.addi %mul3A_0, %select_n3A : i32
    %lt3A = vector.broadcast %add3A : i32 to vector<16xi32>
    %lt3A_28 = arith.cmpi slt, %get3A_22, %lt3A : vector<16xi32>
    %all_reduce_population_count3A_29 = tpu.all_reduce %lt3A_28 {dim = 0 : i64, kind = #tpu.reduction_kind<sum>} : vector<16xi1> -> vector<16xi32>
    %slice3A = vector.extract_strided_slice %all_reduce_population_count3A {offsets = [0], sizes = [1], strides = [1]} : vector<16xi32> to vector<1xi32>
    %squeeze3A = vector.extract %slice3A[0] : i32 from vector<1xi32>
    %sub3A = arith.constant 1 : i32
    %sub3A_30 = arith.subi %squeeze3A, %sub3A : i32
    %slice3A_31 = vector.extract_strided_slice %all_reduce_population_count3A_29 {offsets = [0], sizes = [1], strides = [1]} : vector<16xi32> to vector<1xi32>
    %squeeze3A_32 = vector.extract %slice3A_31[0] : i32 from vector<1xi32>
    %sub3A_33 = arith.constant 1 : i32
    %sub3A_34 = arith.subi %squeeze3A_32, %sub3A_33 : i32
    %add3A_35 = arith.constant 1 : i32
    %add3A_36 = arith.addi %sub3A_34, %add3A_35 : i32
    %while3A = arith.subi %add3A_36, %sub3A_30 : i32
    %while3A_37 = arith.addi %sub3A_30, %while3A : i32
    %while3A_38 = arith.constant 1 : i32
    %while3A_39 = arith.divsi %while3A, %while3A_38 : i32
    %while3A_40 = arith.muli %while3A_39, %while3A_38 : i32
    %while3A_41 = arith.addi %sub3A_30, %while3A_40 : i32
    %while3A_42 = arith.constant 1 : i32
    %while3A_43 = scf.for %while3A_143 = %sub3A_30 to %while3A_41 step %while3A_42 iter_args(%while3A_144 = %broadcast_in_dim3A_21) -> (vector<16xf32>)  : i32 {
      %min3A = arith.constant 1 : i32
      %min3A_145 = vector.broadcast %min3A : i32 to vector<16xi32>
      %min3A_146 = arith.minsi %iota3A, %min3A_145 : vector<16xi32>
      %add3A_147 = vector.broadcast %while3A_143 : i32 to vector<16xi32>
      %add3A_148 = arith.addi %add3A_147, %min3A_146 : vector<16xi32>
      %gather3A = tpu.vector_load_idx %arg7[%add3A_148] : memref<32xi32, #tpu.memory_space<vmem>>[vector<16xi32>], vector<16xi32>,
      %slice3A_149 = vector.extract_strided_slice %gather3A {offsets = [0], sizes = [1], strides = [1]} : vector<16xi32> to vector<1xi32>
      %squeeze3A_150 = vector.extract %slice3A_149[0] : i32 from vector<1xi32>
      %sub3A_151 = arith.subi %squeeze3A_150, %mul3A_0 : i32
      %jit3A_152 = arith.constant 0 : i32
      %max3A_153 = arith.maxsi %jit3A_152, %sub3A_151 : i32
      %min3A_154 = arith.minsi %select_n3A, %max3A_153 : i32
      %slice3A_155 = vector.extract_strided_slice %gather3A {offsets = [1], sizes = [1], strides = [1]} : vector<16xi32> to vector<1xi32>
      %squeeze3A_156 = vector.extract %slice3A_155[0] : i32 from vector<1xi32>
      %sub3A_157 = arith.subi %squeeze3A_156, %mul3A_0 : i32
      %max3A_158 = arith.maxsi %min3A_154, %sub3A_157 : i32
      %min3A_159 = arith.minsi %select_n3A, %max3A_158 : i32
      %lt3A_160 = arith.cmpi slt, %min3A_154, %min3A_159 : i32
      %convert_element_type3A_161 = arith.extui %lt3A_160 : i1 to i32
      %cond3A_162 = arith.constant 0 : i32
      %cond3A_163 = arith.cmpi ne, %convert_element_type3A_161, %cond3A_162 : i32
      %cond3A_164 = scf.if %cond3A_163 -> (f32) {
        %jit3A_169 = arith.constant 16 : i32
        %div3A_170 = arith.divsi %min3A_154, %jit3A_169 : i32
        %sign3A = arith.constant 0 : i32
        %sign3A_171 = arith.cmpi sgt, %min3A_154, %sign3A : i32
        %sign3A_172 = arith.extui %sign3A_171 : i1 to i32
        %sign3A_173 = arith.constant 0 : i32
        %sign3A_174 = arith.cmpi slt, %min3A_154, %sign3A_173 : i32
        %sign3A_175 = arith.extui %sign3A_174 : i1 to i32
        %sign3A_176 = arith.subi %sign3A_172, %sign3A_175 : i32
        %sign3A_177 = arith.constant 0 : i32
        %sign3A_178 = arith.cmpi sgt, %jit3A_169, %sign3A_177 : i32
        %sign3A_179 = arith.extui %sign3A_178 : i1 to i32
        %sign3A_180 = arith.constant 0 : i32
        %sign3A_181 = arith.cmpi slt, %jit3A_169, %sign3A_180 : i32
        %sign3A_182 = arith.extui %sign3A_181 : i1 to i32
        %sign3A_183 = arith.subi %sign3A_179, %sign3A_182 : i32
        %ne3A = arith.cmpi ne, %sign3A_176, %sign3A_183 : i32
        %rem3A = arith.remsi %min3A_154, %jit3A_169 : i32
        %ne3A_184 = arith.constant 0 : i32
        %ne3A_185 = arith.cmpi ne, %rem3A, %ne3A_184 : i32
        %and3A_186 = arith.andi %ne3A, %ne3A_185 : i1
        %sub3A_187 = arith.constant 1 : i32
        %sub3A_188 = arith.subi %div3A_170, %sub3A_187 : i32
        %select_n3A_189 = arith.select %and3A_186, %sub3A_188, %div3A_170 : i32
        %mul3A_190 = arith.constant 16 : i32
        %mul3A_191 = arith.muli %select_n3A_189, %mul3A_190 : i32
        %get3A_192 = arith.index_cast %mul3A_191 : i32 to index
        %get3A_193 = tpu.vector_load %arg5[%get3A_192] {strides = array<i32>} : memref<6400xf32, #tpu.memory_space<vmem>>, vector<16xf32>,
        %mul3A_194 = arith.constant 16 : i32
        %mul3A_195 = arith.muli %select_n3A_189, %mul3A_194 : i32
        %add3A_196 = vector.broadcast %mul3A_195 : i32 to vector<16xi32>
        %add3A_197 = arith.addi %add3A_196, %iota3A : vector<16xi32>
        %ge3A = vector.broadcast %min3A_154 : i32 to vector<16xi32>
        %ge3A_198 = arith.cmpi sge, %add3A_197, %ge3A : vector<16xi32>
        %lt3A_199 = vector.broadcast %min3A_159 : i32 to vector<16xi32>
        %lt3A_200 = arith.cmpi slt, %add3A_197, %lt3A_199 : vector<16xi32>
        %and3A_201 = arith.andi %ge3A_198, %lt3A_200 : vector<16xi1>
        %select_n3A_202 = arith.select %and3A_201, %get3A_193, %broadcast_in_dim3A_21 : vector<16xi1>, vector<16xf32>
        %max3A_203 = arith.maximumf %broadcast_in_dim3A_21, %select_n3A_202 : vector<16xf32>
        %sub3A_204 = arith.constant 1 : i32
        %sub3A_205 = arith.subi %min3A_159, %sub3A_204 : i32
        %jit3A_206 = arith.constant 16 : i32
        %div3A_207 = arith.divsi %sub3A_205, %jit3A_206 : i32
        %sign3A_208 = arith.constant 0 : i32
        %sign3A_209 = arith.cmpi sgt, %sub3A_205, %sign3A_208 : i32
        %sign3A_210 = arith.extui %sign3A_209 : i1 to i32
        %sign3A_211 = arith.constant 0 : i32
        %sign3A_212 = arith.cmpi slt, %sub3A_205, %sign3A_211 : i32
        %sign3A_213 = arith.extui %sign3A_212 : i1 to i32
        %sign3A_214 = arith.subi %sign3A_210, %sign3A_213 : i32
        %sign3A_215 = arith.constant 0 : i32
        %sign3A_216 = arith.cmpi sgt, %jit3A_206, %sign3A_215 : i32
        %sign3A_217 = arith.extui %sign3A_216 : i1 to i32
        %sign3A_218 = arith.constant 0 : i32
        %sign3A_219 = arith.cmpi slt, %jit3A_206, %sign3A_218 : i32
        %sign3A_220 = arith.extui %sign3A_219 : i1 to i32
        %sign3A_221 = arith.subi %sign3A_217, %sign3A_220 : i32
        %ne3A_222 = arith.cmpi ne, %sign3A_214, %sign3A_221 : i32
        %rem3A_223 = arith.remsi %sub3A_205, %jit3A_206 : i32
        %ne3A_224 = arith.constant 0 : i32
        %ne3A_225 = arith.cmpi ne, %rem3A_223, %ne3A_224 : i32
        %and3A_226 = arith.andi %ne3A_222, %ne3A_225 : i1
        %sub3A_227 = arith.constant 1 : i32
        %sub3A_228 = arith.subi %div3A_207, %sub3A_227 : i32
        %select_n3A_229 = arith.select %and3A_226, %sub3A_228, %div3A_207 : i32
        %mul3A_230 = arith.constant 16 : i32
        %mul3A_231 = arith.muli %select_n3A_229, %mul3A_230 : i32
        %get3A_232 = arith.index_cast %mul3A_231 : i32 to index
        %get3A_233 = tpu.vector_load %arg5[%get3A_232] {strides = array<i32>} : memref<6400xf32, #tpu.memory_space<vmem>>, vector<16xf32>,
        %mul3A_234 = arith.constant 16 : i32
        %mul3A_235 = arith.muli %select_n3A_229, %mul3A_234 : i32
        %add3A_236 = vector.broadcast %mul3A_235 : i32 to vector<16xi32>
        %add3A_237 = arith.addi %add3A_236, %iota3A : vector<16xi32>
        %ge3A_238 = vector.broadcast %min3A_154 : i32 to vector<16xi32>
        %ge3A_239 = arith.cmpi sge, %add3A_237, %ge3A_238 : vector<16xi32>
        %lt3A_240 = vector.broadcast %min3A_159 : i32 to vector<16xi32>
        %lt3A_241 = arith.cmpi slt, %add3A_237, %lt3A_240 : vector<16xi32>
        %and3A_242 = arith.andi %ge3A_239, %lt3A_241 : vector<16xi1>
        %select_n3A_243 = arith.select %and3A_242, %get3A_233, %broadcast_in_dim3A_21 : vector<16xi1>, vector<16xf32>
        %max3A_244 = arith.maximumf %max3A_203, %select_n3A_243 : vector<16xf32>
        %add3A_245 = arith.constant 16 : i32
        %add3A_246 = arith.addi %min3A_154, %add3A_245 : i32
        %sub3A_247 = arith.constant 1 : i32
        %sub3A_248 = arith.subi %add3A_246, %sub3A_247 : i32
        %jit3A_249 = arith.constant 16 : i32
        %div3A_250 = arith.divsi %sub3A_248, %jit3A_249 : i32
        %sign3A_251 = arith.constant 0 : i32
        %sign3A_252 = arith.cmpi sgt, %sub3A_248, %sign3A_251 : i32
        %sign3A_253 = arith.extui %sign3A_252 : i1 to i32
        %sign3A_254 = arith.constant 0 : i32
        %sign3A_255 = arith.cmpi slt, %sub3A_248, %sign3A_254 : i32
        %sign3A_256 = arith.extui %sign3A_255 : i1 to i32
        %sign3A_257 = arith.subi %sign3A_253, %sign3A_256 : i32
        %sign3A_258 = arith.constant 0 : i32
        %sign3A_259 = arith.cmpi sgt, %jit3A_249, %sign3A_258 : i32
        %sign3A_260 = arith.extui %sign3A_259 : i1 to i32
        %sign3A_261 = arith.constant 0 : i32
        %sign3A_262 = arith.cmpi slt, %jit3A_249, %sign3A_261 : i32
        %sign3A_263 = arith.extui %sign3A_262 : i1 to i32
        %sign3A_264 = arith.subi %sign3A_260, %sign3A_263 : i32
        %ne3A_265 = arith.cmpi ne, %sign3A_257, %sign3A_264 : i32
        %rem3A_266 = arith.remsi %sub3A_248, %jit3A_249 : i32
        %ne3A_267 = arith.constant 0 : i32
        %ne3A_268 = arith.cmpi ne, %rem3A_266, %ne3A_267 : i32
        %and3A_269 = arith.andi %ne3A_265, %ne3A_268 : i1
        %sub3A_270 = arith.constant 1 : i32
        %sub3A_271 = arith.subi %div3A_250, %sub3A_270 : i32
        %select_n3A_272 = arith.select %and3A_269, %sub3A_271, %div3A_250 : i32
        %jit3A_273 = arith.constant 16 : i32
        %div3A_274 = arith.divsi %min3A_159, %jit3A_273 : i32
        %sign3A_275 = arith.constant 0 : i32
        %sign3A_276 = arith.cmpi sgt, %min3A_159, %sign3A_275 : i32
        %sign3A_277 = arith.extui %sign3A_276 : i1 to i32
        %sign3A_278 = arith.constant 0 : i32
        %sign3A_279 = arith.cmpi slt, %min3A_159, %sign3A_278 : i32
        %sign3A_280 = arith.extui %sign3A_279 : i1 to i32
        %sign3A_281 = arith.subi %sign3A_277, %sign3A_280 : i32
        %sign3A_282 = arith.constant 0 : i32
        %sign3A_283 = arith.cmpi sgt, %jit3A_273, %sign3A_282 : i32
        %sign3A_284 = arith.extui %sign3A_283 : i1 to i32
        %sign3A_285 = arith.constant 0 : i32
        %sign3A_286 = arith.cmpi slt, %jit3A_273, %sign3A_285 : i32
        %sign3A_287 = arith.extui %sign3A_286 : i1 to i32
        %sign3A_288 = arith.subi %sign3A_284, %sign3A_287 : i32
        %ne3A_289 = arith.cmpi ne, %sign3A_281, %sign3A_288 : i32
        %rem3A_290 = arith.remsi %min3A_159, %jit3A_273 : i32
        %ne3A_291 = arith.constant 0 : i32
        %ne3A_292 = arith.cmpi ne, %rem3A_290, %ne3A_291 : i32
        %and3A_293 = arith.andi %ne3A_289, %ne3A_292 : i1
        %sub3A_294 = arith.constant 1 : i32
        %sub3A_295 = arith.subi %div3A_274, %sub3A_294 : i32
        %select_n3A_296 = arith.select %and3A_293, %sub3A_295, %div3A_274 : i32
        %max3A_297 = arith.maxsi %select_n3A_272, %select_n3A_296 : i32
        %parallel_loop3A = arith.constant 1 : i32
        %parallel_loop3A_298 = scf.for %parallel_loop3A_302 = %select_n3A_272 to %max3A_297 step %parallel_loop3A iter_args(%parallel_loop3A_303 = %max3A_244) -> (vector<16xf32>)  : i32 {
          %parallel_loop3A_304 = arith.constant 16 : i32
          %parallel_loop3A_305 = arith.muli %parallel_loop3A_302, %parallel_loop3A_304 : i32
          %parallel_loop3A_306 = arith.index_cast %parallel_loop3A_305 : i32 to index
          %parallel_loop3A_307 = tpu.vector_load %arg5[%parallel_loop3A_306] {strides = array<i32>} : memref<6400xf32, #tpu.memory_space<vmem>>, vector<16xf32>,
          %parallel_loop3A_308 = arith.maximumf %parallel_loop3A_303, %parallel_loop3A_307 : vector<16xf32>
          scf.yield %parallel_loop3A_308 : vector<16xf32>
        } {sc.loop_unroll_factor = 8 : i64, sc.parallel_access}
        %reduce_max3A = arith.constant true
        %reduce_max3A_299 = vector.broadcast %reduce_max3A : i1 to vector<16xi1>
        %reduce_max3A_300 = tpu.scan <max>, %parallel_loop3A_298 masked %reduce_max3A_299 : vector<16xf32>, vector<16xi1> -> vector<16xf32>
        %reduce_max3A_301 = vector.extract %reduce_max3A_300[15] : f32 from vector<16xf32>
        scf.yield %reduce_max3A_301 : f32
      } else {
        %cond3A_169 = arith.constant 0xFF800000 : f32
        scf.yield %cond3A_169 : f32
      }
      %eq3A_165 = vector.broadcast %while3A_143 : i32 to vector<16xi32>
      %eq3A_166 = arith.cmpi eq, %iota3A, %eq3A_165 : vector<16xi32>
      %broadcast_in_dim3A_167 = vector.broadcast %cond3A_164 : f32 to vector<16xf32>
      %select_n3A_168 = arith.select %eq3A_166, %broadcast_in_dim3A_167, %while3A_144 : vector<16xi1>, vector<16xf32>
      scf.yield %select_n3A_168 : vector<16xf32>
    }
    %while3A_44 = arith.constant 1 : i32
    %while3A_45 = scf.for %while3A_143 = %while3A_41 to %while3A_37 step %while3A_44 iter_args(%while3A_144 = %while3A_43) -> (vector<16xf32>)  : i32 {
      %min3A = arith.constant 1 : i32
      %min3A_145 = vector.broadcast %min3A : i32 to vector<16xi32>
      %min3A_146 = arith.minsi %iota3A, %min3A_145 : vector<16xi32>
      %add3A_147 = vector.broadcast %while3A_143 : i32 to vector<16xi32>
      %add3A_148 = arith.addi %add3A_147, %min3A_146 : vector<16xi32>
      %gather3A = tpu.vector_load_idx %arg7[%add3A_148] : memref<32xi32, #tpu.memory_space<vmem>>[vector<16xi32>], vector<16xi32>,
      %slice3A_149 = vector.extract_strided_slice %gather3A {offsets = [0], sizes = [1], strides = [1]} : vector<16xi32> to vector<1xi32>
      %squeeze3A_150 = vector.extract %slice3A_149[0] : i32 from vector<1xi32>
      %sub3A_151 = arith.subi %squeeze3A_150, %mul3A_0 : i32
      %jit3A_152 = arith.constant 0 : i32
      %max3A_153 = arith.maxsi %jit3A_152, %sub3A_151 : i32
      %min3A_154 = arith.minsi %select_n3A, %max3A_153 : i32
      %slice3A_155 = vector.extract_strided_slice %gather3A {offsets = [1], sizes = [1], strides = [1]} : vector<16xi32> to vector<1xi32>
      %squeeze3A_156 = vector.extract %slice3A_155[0] : i32 from vector<1xi32>
      %sub3A_157 = arith.subi %squeeze3A_156, %mul3A_0 : i32
      %max3A_158 = arith.maxsi %min3A_154, %sub3A_157 : i32
      %min3A_159 = arith.minsi %select_n3A, %max3A_158 : i32
      %lt3A_160 = arith.cmpi slt, %min3A_154, %min3A_159 : i32
      %convert_element_type3A_161 = arith.extui %lt3A_160 : i1 to i32
      %cond3A_162 = arith.constant 0 : i32
      %cond3A_163 = arith.cmpi ne, %convert_element_type3A_161, %cond3A_162 : i32
      %cond3A_164 = scf.if %cond3A_163 -> (f32) {
        %jit3A_169 = arith.constant 16 : i32
        %div3A_170 = arith.divsi %min3A_154, %jit3A_169 : i32
        %sign3A = arith.constant 0 : i32
        %sign3A_171 = arith.cmpi sgt, %min3A_154, %sign3A : i32
        %sign3A_172 = arith.extui %sign3A_171 : i1 to i32
        %sign3A_173 = arith.constant 0 : i32
        %sign3A_174 = arith.cmpi slt, %min3A_154, %sign3A_173 : i32
        %sign3A_175 = arith.extui %sign3A_174 : i1 to i32
        %sign3A_176 = arith.subi %sign3A_172, %sign3A_175 : i32
        %sign3A_177 = arith.constant 0 : i32
        %sign3A_178 = arith.cmpi sgt, %jit3A_169, %sign3A_177 : i32
        %sign3A_179 = arith.extui %sign3A_178 : i1 to i32
        %sign3A_180 = arith.constant 0 : i32
        %sign3A_181 = arith.cmpi slt, %jit3A_169, %sign3A_180 : i32
        %sign3A_182 = arith.extui %sign3A_181 : i1 to i32
        %sign3A_183 = arith.subi %sign3A_179, %sign3A_182 : i32
        %ne3A = arith.cmpi ne, %sign3A_176, %sign3A_183 : i32
        %rem3A = arith.remsi %min3A_154, %jit3A_169 : i32
        %ne3A_184 = arith.constant 0 : i32
        %ne3A_185 = arith.cmpi ne, %rem3A, %ne3A_184 : i32
        %and3A_186 = arith.andi %ne3A, %ne3A_185 : i1
        %sub3A_187 = arith.constant 1 : i32
        %sub3A_188 = arith.subi %div3A_170, %sub3A_187 : i32
        %select_n3A_189 = arith.select %and3A_186, %sub3A_188, %div3A_170 : i32
        %mul3A_190 = arith.constant 16 : i32
        %mul3A_191 = arith.muli %select_n3A_189, %mul3A_190 : i32
        %get3A_192 = arith.index_cast %mul3A_191 : i32 to index
        %get3A_193 = tpu.vector_load %arg5[%get3A_192] {strides = array<i32>} : memref<6400xf32, #tpu.memory_space<vmem>>, vector<16xf32>,
        %mul3A_194 = arith.constant 16 : i32
        %mul3A_195 = arith.muli %select_n3A_189, %mul3A_194 : i32
        %add3A_196 = vector.broadcast %mul3A_195 : i32 to vector<16xi32>
        %add3A_197 = arith.addi %add3A_196, %iota3A : vector<16xi32>
        %ge3A = vector.broadcast %min3A_154 : i32 to vector<16xi32>
        %ge3A_198 = arith.cmpi sge, %add3A_197, %ge3A : vector<16xi32>
        %lt3A_199 = vector.broadcast %min3A_159 : i32 to vector<16xi32>
        %lt3A_200 = arith.cmpi slt, %add3A_197, %lt3A_199 : vector<16xi32>
        %and3A_201 = arith.andi %ge3A_198, %lt3A_200 : vector<16xi1>
        %select_n3A_202 = arith.select %and3A_201, %get3A_193, %broadcast_in_dim3A_21 : vector<16xi1>, vector<16xf32>
        %max3A_203 = arith.maximumf %broadcast_in_dim3A_21, %select_n3A_202 : vector<16xf32>
        %sub3A_204 = arith.constant 1 : i32
        %sub3A_205 = arith.subi %min3A_159, %sub3A_204 : i32
        %jit3A_206 = arith.constant 16 : i32
        %div3A_207 = arith.divsi %sub3A_205, %jit3A_206 : i32
        %sign3A_208 = arith.constant 0 : i32
        %sign3A_209 = arith.cmpi sgt, %sub3A_205, %sign3A_208 : i32
        %sign3A_210 = arith.extui %sign3A_209 : i1 to i32
        %sign3A_211 = arith.constant 0 : i32
        %sign3A_212 = arith.cmpi slt, %sub3A_205, %sign3A_211 : i32
        %sign3A_213 = arith.extui %sign3A_212 : i1 to i32
        %sign3A_214 = arith.subi %sign3A_210, %sign3A_213 : i32
        %sign3A_215 = arith.constant 0 : i32
        %sign3A_216 = arith.cmpi sgt, %jit3A_206, %sign3A_215 : i32
        %sign3A_217 = arith.extui %sign3A_216 : i1 to i32
        %sign3A_218 = arith.constant 0 : i32
        %sign3A_219 = arith.cmpi slt, %jit3A_206, %sign3A_218 : i32
        %sign3A_220 = arith.extui %sign3A_219 : i1 to i32
        %sign3A_221 = arith.subi %sign3A_217, %sign3A_220 : i32
        %ne3A_222 = arith.cmpi ne, %sign3A_214, %sign3A_221 : i32
        %rem3A_223 = arith.remsi %sub3A_205, %jit3A_206 : i32
        %ne3A_224 = arith.constant 0 : i32
        %ne3A_225 = arith.cmpi ne, %rem3A_223, %ne3A_224 : i32
        %and3A_226 = arith.andi %ne3A_222, %ne3A_225 : i1
        %sub3A_227 = arith.constant 1 : i32
        %sub3A_228 = arith.subi %div3A_207, %sub3A_227 : i32
        %select_n3A_229 = arith.select %and3A_226, %sub3A_228, %div3A_207 : i32
        %mul3A_230 = arith.constant 16 : i32
        %mul3A_231 = arith.muli %select_n3A_229, %mul3A_230 : i32
        %get3A_232 = arith.index_cast %mul3A_231 : i32 to index
        %get3A_233 = tpu.vector_load %arg5[%get3A_232] {strides = array<i32>} : memref<6400xf32, #tpu.memory_space<vmem>>, vector<16xf32>,
        %mul3A_234 = arith.constant 16 : i32
        %mul3A_235 = arith.muli %select_n3A_229, %mul3A_234 : i32
        %add3A_236 = vector.broadcast %mul3A_235 : i32 to vector<16xi32>
        %add3A_237 = arith.addi %add3A_236, %iota3A : vector<16xi32>
        %ge3A_238 = vector.broadcast %min3A_154 : i32 to vector<16xi32>
        %ge3A_239 = arith.cmpi sge, %add3A_237, %ge3A_238 : vector<16xi32>
        %lt3A_240 = vector.broadcast %min3A_159 : i32 to vector<16xi32>
        %lt3A_241 = arith.cmpi slt, %add3A_237, %lt3A_240 : vector<16xi32>
        %and3A_242 = arith.andi %ge3A_239, %lt3A_241 : vector<16xi1>
        %select_n3A_243 = arith.select %and3A_242, %get3A_233, %broadcast_in_dim3A_21 : vector<16xi1>, vector<16xf32>
        %max3A_244 = arith.maximumf %max3A_203, %select_n3A_243 : vector<16xf32>
        %add3A_245 = arith.constant 16 : i32
        %add3A_246 = arith.addi %min3A_154, %add3A_245 : i32
        %sub3A_247 = arith.constant 1 : i32
        %sub3A_248 = arith.subi %add3A_246, %sub3A_247 : i32
        %jit3A_249 = arith.constant 16 : i32
        %div3A_250 = arith.divsi %sub3A_248, %jit3A_249 : i32
        %sign3A_251 = arith.constant 0 : i32
        %sign3A_252 = arith.cmpi sgt, %sub3A_248, %sign3A_251 : i32
        %sign3A_253 = arith.extui %sign3A_252 : i1 to i32
        %sign3A_254 = arith.constant 0 : i32
        %sign3A_255 = arith.cmpi slt, %sub3A_248, %sign3A_254 : i32
        %sign3A_256 = arith.extui %sign3A_255 : i1 to i32
        %sign3A_257 = arith.subi %sign3A_253, %sign3A_256 : i32
        %sign3A_258 = arith.constant 0 : i32
        %sign3A_259 = arith.cmpi sgt, %jit3A_249, %sign3A_258 : i32
        %sign3A_260 = arith.extui %sign3A_259 : i1 to i32
        %sign3A_261 = arith.constant 0 : i32
        %sign3A_262 = arith.cmpi slt, %jit3A_249, %sign3A_261 : i32
        %sign3A_263 = arith.extui %sign3A_262 : i1 to i32
        %sign3A_264 = arith.subi %sign3A_260, %sign3A_263 : i32
        %ne3A_265 = arith.cmpi ne, %sign3A_257, %sign3A_264 : i32
        %rem3A_266 = arith.remsi %sub3A_248, %jit3A_249 : i32
        %ne3A_267 = arith.constant 0 : i32
        %ne3A_268 = arith.cmpi ne, %rem3A_266, %ne3A_267 : i32
        %and3A_269 = arith.andi %ne3A_265, %ne3A_268 : i1
        %sub3A_270 = arith.constant 1 : i32
        %sub3A_271 = arith.subi %div3A_250, %sub3A_270 : i32
        %select_n3A_272 = arith.select %and3A_269, %sub3A_271, %div3A_250 : i32
        %jit3A_273 = arith.constant 16 : i32
        %div3A_274 = arith.divsi %min3A_159, %jit3A_273 : i32
        %sign3A_275 = arith.constant 0 : i32
        %sign3A_276 = arith.cmpi sgt, %min3A_159, %sign3A_275 : i32
        %sign3A_277 = arith.extui %sign3A_276 : i1 to i32
        %sign3A_278 = arith.constant 0 : i32
        %sign3A_279 = arith.cmpi slt, %min3A_159, %sign3A_278 : i32
        %sign3A_280 = arith.extui %sign3A_279 : i1 to i32
        %sign3A_281 = arith.subi %sign3A_277, %sign3A_280 : i32
        %sign3A_282 = arith.constant 0 : i32
        %sign3A_283 = arith.cmpi sgt, %jit3A_273, %sign3A_282 : i32
        %sign3A_284 = arith.extui %sign3A_283 : i1 to i32
        %sign3A_285 = arith.constant 0 : i32
        %sign3A_286 = arith.cmpi slt, %jit3A_273, %sign3A_285 : i32
        %sign3A_287 = arith.extui %sign3A_286 : i1 to i32
        %sign3A_288 = arith.subi %sign3A_284, %sign3A_287 : i32
        %ne3A_289 = arith.cmpi ne, %sign3A_281, %sign3A_288 : i32
        %rem3A_290 = arith.remsi %min3A_159, %jit3A_273 : i32
        %ne3A_291 = arith.constant 0 : i32
        %ne3A_292 = arith.cmpi ne, %rem3A_290, %ne3A_291 : i32
        %and3A_293 = arith.andi %ne3A_289, %ne3A_292 : i1
        %sub3A_294 = arith.constant 1 : i32
        %sub3A_295 = arith.subi %div3A_274, %sub3A_294 : i32
        %select_n3A_296 = arith.select %and3A_293, %sub3A_295, %div3A_274 : i32
        %max3A_297 = arith.maxsi %select_n3A_272, %select_n3A_296 : i32
        %parallel_loop3A = arith.constant 1 : i32
        %parallel_loop3A_298 = scf.for %parallel_loop3A_302 = %select_n3A_272 to %max3A_297 step %parallel_loop3A iter_args(%parallel_loop3A_303 = %max3A_244) -> (vector<16xf32>)  : i32 {
          %parallel_loop3A_304 = arith.constant 16 : i32
          %parallel_loop3A_305 = arith.muli %parallel_loop3A_302, %parallel_loop3A_304 : i32
          %parallel_loop3A_306 = arith.index_cast %parallel_loop3A_305 : i32 to index
          %parallel_loop3A_307 = tpu.vector_load %arg5[%parallel_loop3A_306] {strides = array<i32>} : memref<6400xf32, #tpu.memory_space<vmem>>, vector<16xf32>,
          %parallel_loop3A_308 = arith.maximumf %parallel_loop3A_303, %parallel_loop3A_307 : vector<16xf32>
          scf.yield %parallel_loop3A_308 : vector<16xf32>
        } {sc.loop_unroll_factor = 8 : i64, sc.parallel_access}
        %reduce_max3A = arith.constant true
        %reduce_max3A_299 = vector.broadcast %reduce_max3A : i1 to vector<16xi1>
        %reduce_max3A_300 = tpu.scan <max>, %parallel_loop3A_298 masked %reduce_max3A_299 : vector<16xf32>, vector<16xi1> -> vector<16xf32>
        %reduce_max3A_301 = vector.extract %reduce_max3A_300[15] : f32 from vector<16xf32>
        scf.yield %reduce_max3A_301 : f32
      } else {
        %cond3A_169 = arith.constant 0xFF800000 : f32
        scf.yield %cond3A_169 : f32
      }
      %eq3A_165 = vector.broadcast %while3A_143 : i32 to vector<16xi32>
      %eq3A_166 = arith.cmpi eq, %iota3A, %eq3A_165 : vector<16xi32>
      %broadcast_in_dim3A_167 = vector.broadcast %cond3A_164 : f32 to vector<16xf32>
      %select_n3A_168 = arith.select %eq3A_166, %broadcast_in_dim3A_167, %while3A_144 : vector<16xi1>, vector<16xf32>
      scf.yield %select_n3A_168 : vector<16xf32>
    }
    %swap3A_46 = arith.constant 0 : index
    %swap3A_47 = tpu.vector_load %arg8[%swap3A_46] {strides = array<i32>} : memref<16xf32, #tpu.memory_space<vmem>>, vector<16xf32>,
    tpu.vector_store %arg8[%swap3A_46], %while3A_45 {strides = array<i32>} : memref<16xf32, #tpu.memory_space<vmem>>, vector<16xf32>,
    %mul3A_48 = arith.constant 16 : i32
    %mul3A_49 = arith.muli %arg1, %mul3A_48 : i32
    "tpu.region"() ({
      %run_scoped3A = tpu.sem_alloc : memref<!tpu.dma_semaphore, #tpu.memory_space<semaphore_mem>>
      %dma_start3A_143 = tpu.memref_slice %arg11[%mul3A_49] : memref<256xf32, #tpu.memory_space<vmem_shared>> -> memref<16xf32, #tpu.memory_space<vmem_shared>>
      %dma_start3A_144 = tpu.memref_slice %arg11[%mul3A_49] : memref<256xf32, #tpu.memory_space<vmem_shared>> -> memref<16xf32, #tpu.memory_space<vmem_shared>>
      tpu.enqueue_dma source(%arg8 : memref<16xf32, #tpu.memory_space<vmem>>) target(%dma_start3A_144 : memref<16xf32, #tpu.memory_space<vmem_shared>>) target_semaphore(%run_scoped3A : memref<!tpu.dma_semaphore, #tpu.memory_space<semaphore_mem>>)
      %dma_wait3A_145 = tpu.memref_slice %arg11[%mul3A_49] : memref<256xf32, #tpu.memory_space<vmem_shared>> -> memref<16xf32, #tpu.memory_space<vmem_shared>>
      %dma_wait3A_146 = tpu.memref_slice %arg11[%mul3A_49] : memref<256xf32, #tpu.memory_space<vmem_shared>> -> memref<16xf32, #tpu.memory_space<vmem_shared>>
      tpu.wait_dma2 semaphore(%run_scoped3A : memref<!tpu.dma_semaphore, #tpu.memory_space<semaphore_mem>>) src(%arg8 : memref<16xf32, #tpu.memory_space<vmem>>) dst(%dma_wait3A_146 : memref<16xf32, #tpu.memory_space<vmem_shared>>)
      tpu.yield
    }) : () -> ()
    %barrier3A = arith.constant 0 : index
    tpu.barrier barrier_id(%barrier3A)
    "tpu.region"() ({
      %run_scoped3A = tpu.sem_alloc : memref<!tpu.dma_semaphore, #tpu.memory_space<semaphore_mem>>
      tpu.enqueue_dma source(%arg11 : memref<256xf32, #tpu.memory_space<vmem_shared>>) target(%arg10 : memref<256xf32, #tpu.memory_space<vmem>>) target_semaphore(%run_scoped3A : memref<!tpu.dma_semaphore, #tpu.memory_space<semaphore_mem>>)
      tpu.wait_dma2 semaphore(%run_scoped3A : memref<!tpu.dma_semaphore, #tpu.memory_space<semaphore_mem>>) src(%arg11 : memref<256xf32, #tpu.memory_space<vmem_shared>>) dst(%arg10 : memref<256xf32, #tpu.memory_space<vmem>>)
      tpu.yield
    }) : () -> ()
    %get3A_50 = arith.constant 0 : index
    %get3A_51 = tpu.vector_load %arg10[%get3A_50] {strides = array<i32>} : memref<256xf32, #tpu.memory_space<vmem>>, vector<16xf32>,
    %max3A = arith.maximumf %broadcast_in_dim3A_21, %get3A_51 : vector<16xf32>
    %get3A_52 = arith.constant 16 : index
    %get3A_53 = tpu.vector_load %arg10[%get3A_52] {strides = array<i32>} : memref<256xf32, #tpu.memory_space<vmem>>, vector<16xf32>,
    %max3A_54 = arith.maximumf %max3A, %get3A_53 : vector<16xf32>
    %get3A_55 = arith.constant 32 : index
    %get3A_56 = tpu.vector_load %arg10[%get3A_55] {strides = array<i32>} : memref<256xf32, #tpu.memory_space<vmem>>, vector<16xf32>,
    %max3A_57 = arith.maximumf %max3A_54, %get3A_56 : vector<16xf32>
    %get3A_58 = arith.constant 48 : index
    %get3A_59 = tpu.vector_load %arg10[%get3A_58] {strides = array<i32>} : memref<256xf32, #tpu.memory_space<vmem>>, vector<16xf32>,
    %max3A_60 = arith.maximumf %max3A_57, %get3A_59 : vector<16xf32>
    %get3A_61 = arith.constant 64 : index
    %get3A_62 = tpu.vector_load %arg10[%get3A_61] {strides = array<i32>} : memref<256xf32, #tpu.memory_space<vmem>>, vector<16xf32>,
    %max3A_63 = arith.maximumf %max3A_60, %get3A_62 : vector<16xf32>
    %get3A_64 = arith.constant 80 : index
    %get3A_65 = tpu.vector_load %arg10[%get3A_64] {strides = array<i32>} : memref<256xf32, #tpu.memory_space<vmem>>, vector<16xf32>,
    %max3A_66 = arith.maximumf %max3A_63, %get3A_65 : vector<16xf32>
    %get3A_67 = arith.constant 96 : index
    %get3A_68 = tpu.vector_load %arg10[%get3A_67] {strides = array<i32>} : memref<256xf32, #tpu.memory_space<vmem>>, vector<16xf32>,
    %max3A_69 = arith.maximumf %max3A_66, %get3A_68 : vector<16xf32>
    %get3A_70 = arith.constant 112 : index
    %get3A_71 = tpu.vector_load %arg10[%get3A_70] {strides = array<i32>} : memref<256xf32, #tpu.memory_space<vmem>>, vector<16xf32>,
    %max3A_72 = arith.maximumf %max3A_69, %get3A_71 : vector<16xf32>
    %get3A_73 = arith.constant 128 : index
    %get3A_74 = tpu.vector_load %arg10[%get3A_73] {strides = array<i32>} : memref<256xf32, #tpu.memory_space<vmem>>, vector<16xf32>,
    %max3A_75 = arith.maximumf %max3A_72, %get3A_74 : vector<16xf32>
    %get3A_76 = arith.constant 144 : index
    %get3A_77 = tpu.vector_load %arg10[%get3A_76] {strides = array<i32>} : memref<256xf32, #tpu.memory_space<vmem>>, vector<16xf32>,
    %max3A_78 = arith.maximumf %max3A_75, %get3A_77 : vector<16xf32>
    %get3A_79 = arith.constant 160 : index
    %get3A_80 = tpu.vector_load %arg10[%get3A_79] {strides = array<i32>} : memref<256xf32, #tpu.memory_space<vmem>>, vector<16xf32>,
    %max3A_81 = arith.maximumf %max3A_78, %get3A_80 : vector<16xf32>
    %get3A_82 = arith.constant 176 : index
    %get3A_83 = tpu.vector_load %arg10[%get3A_82] {strides = array<i32>} : memref<256xf32, #tpu.memory_space<vmem>>, vector<16xf32>,
    %max3A_84 = arith.maximumf %max3A_81, %get3A_83 : vector<16xf32>
    %get3A_85 = arith.constant 192 : index
    %get3A_86 = tpu.vector_load %arg10[%get3A_85] {strides = array<i32>} : memref<256xf32, #tpu.memory_space<vmem>>, vector<16xf32>,
    %max3A_87 = arith.maximumf %max3A_84, %get3A_86 : vector<16xf32>
    %get3A_88 = arith.constant 208 : index
    %get3A_89 = tpu.vector_load %arg10[%get3A_88] {strides = array<i32>} : memref<256xf32, #tpu.memory_space<vmem>>, vector<16xf32>,
    %max3A_90 = arith.maximumf %max3A_87, %get3A_89 : vector<16xf32>
    %get3A_91 = arith.constant 224 : index
    %get3A_92 = tpu.vector_load %arg10[%get3A_91] {strides = array<i32>} : memref<256xf32, #tpu.memory_space<vmem>>, vector<16xf32>,
    %max3A_93 = arith.maximumf %max3A_90, %get3A_92 : vector<16xf32>
    %get3A_94 = arith.constant 240 : index
    %get3A_95 = tpu.vector_load %arg10[%get3A_94] {strides = array<i32>} : memref<256xf32, #tpu.memory_space<vmem>>, vector<16xf32>,
    %max3A_96 = arith.maximumf %max3A_93, %get3A_95 : vector<16xf32>
    %div3A = arith.constant 1.000000e+00 : f32
    %div3A_97 = vector.broadcast %div3A : f32 to vector<16xf32>
    %div3A_98 = arith.divf %div3A_97, %max3A_96 : vector<16xf32>
    %swap3A_99 = arith.constant 0 : index
    %swap3A_100 = tpu.vector_load %arg9[%swap3A_99] {strides = array<i32>} : memref<16xf32, #tpu.memory_space<vmem>>, vector<16xf32>,
    tpu.vector_store %arg9[%swap3A_99], %div3A_98 {strides = array<i32>} : memref<16xf32, #tpu.memory_space<vmem>>, vector<16xf32>,
    %mul3A_101 = arith.constant 3200 : i32
    %mul3A_102 = arith.muli %arg0, %mul3A_101 : i32
    %add3A_103 = arith.addi %mul3A_0, %mul3A_102 : i32
    %eq3A_104 = arith.constant 1 : i32
    %eq3A_105 = arith.cmpi eq, %arg0, %eq3A_104 : i32
    %and3A = arith.andi %eq3A_1, %eq3A_105 : i1
    %jit3A_106 = arith.constant 800 : i32
    %jit3A_107 = arith.constant 3200 : i32
    %select_n3A_108 = arith.select %and3A, %jit3A_106, %jit3A_107 : i32
    %le3A_109 = vector.broadcast %add3A_103 : i32 to vector<16xi32>
    %le3A_110 = arith.cmpi sle, %get3A_22, %le3A_109 : vector<16xi32>
    %all_reduce_population_count3A_111 = tpu.all_reduce %le3A_110 {dim = 0 : i64, kind = #tpu.reduction_kind<sum>} : vector<16xi1> -> vector<16xi32>
    %add3A_112 = arith.addi %add3A_103, %select_n3A_108 : i32
    %lt3A_113 = vector.broadcast %add3A_112 : i32 to vector<16xi32>
    %lt3A_114 = arith.cmpi slt, %get3A_22, %lt3A_113 : vector<16xi32>
    %all_reduce_population_count3A_115 = tpu.all_reduce %lt3A_114 {dim = 0 : i64, kind = #tpu.reduction_kind<sum>} : vector<16xi1> -> vector<16xi32>
    %slice3A_116 = vector.extract_strided_slice %all_reduce_population_count3A_111 {offsets = [0], sizes = [1], strides = [1]} : vector<16xi32> to vector<1xi32>
    %squeeze3A_117 = vector.extract %slice3A_116[0] : i32 from vector<1xi32>
    %sub3A_118 = arith.constant 1 : i32
    %sub3A_119 = arith.subi %squeeze3A_117, %sub3A_118 : i32
    %slice3A_120 = vector.extract_strided_slice %all_reduce_population_count3A_115 {offsets = [0], sizes = [1], strides = [1]} : vector<16xi32> to vector<1xi32>
    %squeeze3A_121 = vector.extract %slice3A_120[0] : i32 from vector<1xi32>
    %sub3A_122 = arith.constant 1 : i32
    %sub3A_123 = arith.subi %squeeze3A_121, %sub3A_122 : i32
    %add3A_124 = arith.constant 1 : i32
    %add3A_125 = arith.addi %sub3A_123, %add3A_124 : i32
    %while3A_126 = arith.constant 0 : i32
    %while3A_127 = arith.subi %add3A_125, %sub3A_119 : i32
    %while3A_128 = arith.addi %sub3A_119, %while3A_127 : i32
    %while3A_129 = arith.constant 1 : i32
    %while3A_130 = arith.divsi %while3A_127, %while3A_129 : i32
    %while3A_131 = arith.muli %while3A_130, %while3A_129 : i32
    %while3A_132 = arith.addi %sub3A_119, %while3A_131 : i32
    %while3A_133 = arith.constant 1 : i32
    scf.for %while3A_143 = %sub3A_119 to %while3A_132 step %while3A_133  : i32 {
      %min3A = arith.constant 1 : i32
      %min3A_144 = vector.broadcast %min3A : i32 to vector<16xi32>
      %min3A_145 = arith.minsi %iota3A, %min3A_144 : vector<16xi32>
      %add3A_146 = vector.broadcast %while3A_143 : i32 to vector<16xi32>
      %add3A_147 = arith.addi %add3A_146, %min3A_145 : vector<16xi32>
      %gather3A = tpu.vector_load_idx %arg7[%add3A_147] : memref<32xi32, #tpu.memory_space<vmem>>[vector<16xi32>], vector<16xi32>,
      %slice3A_148 = vector.extract_strided_slice %gather3A {offsets = [0], sizes = [1], strides = [1]} : vector<16xi32> to vector<1xi32>
      %squeeze3A_149 = vector.extract %slice3A_148[0] : i32 from vector<1xi32>
      %sub3A_150 = arith.subi %squeeze3A_149, %add3A_103 : i32
      %jit3A_151 = arith.constant 0 : i32
      %max3A_152 = arith.maxsi %jit3A_151, %sub3A_150 : i32
      %min3A_153 = arith.minsi %select_n3A_108, %max3A_152 : i32
      %slice3A_154 = vector.extract_strided_slice %gather3A {offsets = [1], sizes = [1], strides = [1]} : vector<16xi32> to vector<1xi32>
      %squeeze3A_155 = vector.extract %slice3A_154[0] : i32 from vector<1xi32>
      %sub3A_156 = arith.subi %squeeze3A_155, %add3A_103 : i32
      %max3A_157 = arith.maxsi %min3A_153, %sub3A_156 : i32
      %min3A_158 = arith.minsi %select_n3A_108, %max3A_157 : i32
      %broadcast_in_dim3A_159 = vector.broadcast %while3A_143 : i32 to vector<16xi32>
      %gather3A_160 = tpu.vector_load_idx %arg9[%broadcast_in_dim3A_159] : memref<16xf32, #tpu.memory_space<vmem>>[vector<16xi32>], vector<16xf32>,
      %lt3A_161 = arith.cmpi slt, %min3A_153, %min3A_158 : i32
      %convert_element_type3A_162 = arith.extui %lt3A_161 : i1 to i32
      %cond3A_163 = arith.constant 0 : i32
      %cond3A_164 = arith.cmpi ne, %convert_element_type3A_162, %cond3A_163 : i32
      scf.if %cond3A_164 {
        %jit3A_165 = arith.constant 16 : i32
        %div3A_166 = arith.divsi %min3A_153, %jit3A_165 : i32
        %sign3A = arith.constant 0 : i32
        %sign3A_167 = arith.cmpi sgt, %min3A_153, %sign3A : i32
        %sign3A_168 = arith.extui %sign3A_167 : i1 to i32
        %sign3A_169 = arith.constant 0 : i32
        %sign3A_170 = arith.cmpi slt, %min3A_153, %sign3A_169 : i32
        %sign3A_171 = arith.extui %sign3A_170 : i1 to i32
        %sign3A_172 = arith.subi %sign3A_168, %sign3A_171 : i32
        %sign3A_173 = arith.constant 0 : i32
        %sign3A_174 = arith.cmpi sgt, %jit3A_165, %sign3A_173 : i32
        %sign3A_175 = arith.extui %sign3A_174 : i1 to i32
        %sign3A_176 = arith.constant 0 : i32
        %sign3A_177 = arith.cmpi slt, %jit3A_165, %sign3A_176 : i32
        %sign3A_178 = arith.extui %sign3A_177 : i1 to i32
        %sign3A_179 = arith.subi %sign3A_175, %sign3A_178 : i32
        %ne3A = arith.cmpi ne, %sign3A_172, %sign3A_179 : i32
        %rem3A = arith.remsi %min3A_153, %jit3A_165 : i32
        %ne3A_180 = arith.constant 0 : i32
        %ne3A_181 = arith.cmpi ne, %rem3A, %ne3A_180 : i32
        %and3A_182 = arith.andi %ne3A, %ne3A_181 : i1
        %sub3A_183 = arith.constant 1 : i32
        %sub3A_184 = arith.subi %div3A_166, %sub3A_183 : i32
        %select_n3A_185 = arith.select %and3A_182, %sub3A_184, %div3A_166 : i32
        %mul3A_186 = arith.constant 16 : i32
        %mul3A_187 = arith.muli %select_n3A_185, %mul3A_186 : i32
        %add3A_188 = arith.addi %mul3A_102, %mul3A_187 : i32
        %get3A_189 = arith.index_cast %add3A_188 : i32 to index
        %get3A_190 = tpu.vector_load %arg5[%get3A_189] {strides = array<i32>} : memref<6400xf32, #tpu.memory_space<vmem>>, vector<16xf32>,
        %mul3A_191 = arith.constant 16 : i32
        %mul3A_192 = arith.muli %select_n3A_185, %mul3A_191 : i32
        %add3A_193 = vector.broadcast %mul3A_192 : i32 to vector<16xi32>
        %add3A_194 = arith.addi %add3A_193, %iota3A : vector<16xi32>
        %ge3A = vector.broadcast %min3A_153 : i32 to vector<16xi32>
        %ge3A_195 = arith.cmpi sge, %add3A_194, %ge3A : vector<16xi32>
        %lt3A_196 = vector.broadcast %min3A_158 : i32 to vector<16xi32>
        %lt3A_197 = arith.cmpi slt, %add3A_194, %lt3A_196 : vector<16xi32>
        %and3A_198 = arith.andi %ge3A_195, %lt3A_197 : vector<16xi1>
        %mul3A_199 = arith.constant 16 : i32
        %mul3A_200 = arith.muli %select_n3A_185, %mul3A_199 : i32
        %get3A_201 = arith.index_cast %mul3A_200 : i32 to index
        %get3A_202 = tpu.vector_load %arg6[%get3A_201] {strides = array<i32>} : memref<3200xf32, #tpu.memory_space<vmem>>, vector<16xf32>,
        %mul3A_203 = arith.mulf %get3A_190, %gather3A_160 : vector<16xf32>
        %select_n3A_204 = arith.select %and3A_198, %mul3A_203, %get3A_202 : vector<16xi1>, vector<16xf32>
        %mul3A_205 = arith.constant 16 : i32
        %mul3A_206 = arith.muli %select_n3A_185, %mul3A_205 : i32
        %swap3A_207 = arith.index_cast %mul3A_206 : i32 to index
        %swap3A_208 = tpu.vector_load %arg6[%swap3A_207] {strides = array<i32>} : memref<3200xf32, #tpu.memory_space<vmem>>, vector<16xf32>,
        tpu.vector_store %arg6[%swap3A_207], %select_n3A_204 {strides = array<i32>} : memref<3200xf32, #tpu.memory_space<vmem>>, vector<16xf32>,
        %sub3A_209 = arith.constant 1 : i32
        %sub3A_210 = arith.subi %min3A_158, %sub3A_209 : i32
        %jit3A_211 = arith.constant 16 : i32
        %div3A_212 = arith.divsi %sub3A_210, %jit3A_211 : i32
        %sign3A_213 = arith.constant 0 : i32
        %sign3A_214 = arith.cmpi sgt, %sub3A_210, %sign3A_213 : i32
        %sign3A_215 = arith.extui %sign3A_214 : i1 to i32
        %sign3A_216 = arith.constant 0 : i32
        %sign3A_217 = arith.cmpi slt, %sub3A_210, %sign3A_216 : i32
        %sign3A_218 = arith.extui %sign3A_217 : i1 to i32
        %sign3A_219 = arith.subi %sign3A_215, %sign3A_218 : i32
        %sign3A_220 = arith.constant 0 : i32
        %sign3A_221 = arith.cmpi sgt, %jit3A_211, %sign3A_220 : i32
        %sign3A_222 = arith.extui %sign3A_221 : i1 to i32
        %sign3A_223 = arith.constant 0 : i32
        %sign3A_224 = arith.cmpi slt, %jit3A_211, %sign3A_223 : i32
        %sign3A_225 = arith.extui %sign3A_224 : i1 to i32
        %sign3A_226 = arith.subi %sign3A_222, %sign3A_225 : i32
        %ne3A_227 = arith.cmpi ne, %sign3A_219, %sign3A_226 : i32
        %rem3A_228 = arith.remsi %sub3A_210, %jit3A_211 : i32
        %ne3A_229 = arith.constant 0 : i32
        %ne3A_230 = arith.cmpi ne, %rem3A_228, %ne3A_229 : i32
        %and3A_231 = arith.andi %ne3A_227, %ne3A_230 : i1
        %sub3A_232 = arith.constant 1 : i32
        %sub3A_233 = arith.subi %div3A_212, %sub3A_232 : i32
        %select_n3A_234 = arith.select %and3A_231, %sub3A_233, %div3A_212 : i32
        %mul3A_235 = arith.constant 16 : i32
        %mul3A_236 = arith.muli %select_n3A_234, %mul3A_235 : i32
        %add3A_237 = arith.addi %mul3A_102, %mul3A_236 : i32
        %get3A_238 = arith.index_cast %add3A_237 : i32 to index
        %get3A_239 = tpu.vector_load %arg5[%get3A_238] {strides = array<i32>} : memref<6400xf32, #tpu.memory_space<vmem>>, vector<16xf32>,
        %mul3A_240 = arith.constant 16 : i32
        %mul3A_241 = arith.muli %select_n3A_234, %mul3A_240 : i32
        %add3A_242 = vector.broadcast %mul3A_241 : i32 to vector<16xi32>
        %add3A_243 = arith.addi %add3A_242, %iota3A : vector<16xi32>
        %ge3A_244 = vector.broadcast %min3A_153 : i32 to vector<16xi32>
        %ge3A_245 = arith.cmpi sge, %add3A_243, %ge3A_244 : vector<16xi32>
        %lt3A_246 = vector.broadcast %min3A_158 : i32 to vector<16xi32>
        %lt3A_247 = arith.cmpi slt, %add3A_243, %lt3A_246 : vector<16xi32>
        %and3A_248 = arith.andi %ge3A_245, %lt3A_247 : vector<16xi1>
        %mul3A_249 = arith.constant 16 : i32
        %mul3A_250 = arith.muli %select_n3A_234, %mul3A_249 : i32
        %get3A_251 = arith.index_cast %mul3A_250 : i32 to index
        %get3A_252 = tpu.vector_load %arg6[%get3A_251] {strides = array<i32>} : memref<3200xf32, #tpu.memory_space<vmem>>, vector<16xf32>,
        %mul3A_253 = arith.mulf %get3A_239, %gather3A_160 : vector<16xf32>
        %select_n3A_254 = arith.select %and3A_248, %mul3A_253, %get3A_252 : vector<16xi1>, vector<16xf32>
        %mul3A_255 = arith.constant 16 : i32
        %mul3A_256 = arith.muli %select_n3A_234, %mul3A_255 : i32
        %swap3A_257 = arith.index_cast %mul3A_256 : i32 to index
        %swap3A_258 = tpu.vector_load %arg6[%swap3A_257] {strides = array<i32>} : memref<3200xf32, #tpu.memory_space<vmem>>, vector<16xf32>,
        tpu.vector_store %arg6[%swap3A_257], %select_n3A_254 {strides = array<i32>} : memref<3200xf32, #tpu.memory_space<vmem>>, vector<16xf32>,
        %add3A_259 = arith.constant 16 : i32
        %add3A_260 = arith.addi %min3A_153, %add3A_259 : i32
        %sub3A_261 = arith.constant 1 : i32
        %sub3A_262 = arith.subi %add3A_260, %sub3A_261 : i32
        %jit3A_263 = arith.constant 16 : i32
        %div3A_264 = arith.divsi %sub3A_262, %jit3A_263 : i32
        %sign3A_265 = arith.constant 0 : i32
        %sign3A_266 = arith.cmpi sgt, %sub3A_262, %sign3A_265 : i32
        %sign3A_267 = arith.extui %sign3A_266 : i1 to i32
        %sign3A_268 = arith.constant 0 : i32
        %sign3A_269 = arith.cmpi slt, %sub3A_262, %sign3A_268 : i32
        %sign3A_270 = arith.extui %sign3A_269 : i1 to i32
        %sign3A_271 = arith.subi %sign3A_267, %sign3A_270 : i32
        %sign3A_272 = arith.constant 0 : i32
        %sign3A_273 = arith.cmpi sgt, %jit3A_263, %sign3A_272 : i32
        %sign3A_274 = arith.extui %sign3A_273 : i1 to i32
        %sign3A_275 = arith.constant 0 : i32
        %sign3A_276 = arith.cmpi slt, %jit3A_263, %sign3A_275 : i32
        %sign3A_277 = arith.extui %sign3A_276 : i1 to i32
        %sign3A_278 = arith.subi %sign3A_274, %sign3A_277 : i32
        %ne3A_279 = arith.cmpi ne, %sign3A_271, %sign3A_278 : i32
        %rem3A_280 = arith.remsi %sub3A_262, %jit3A_263 : i32
        %ne3A_281 = arith.constant 0 : i32
        %ne3A_282 = arith.cmpi ne, %rem3A_280, %ne3A_281 : i32
        %and3A_283 = arith.andi %ne3A_279, %ne3A_282 : i1
        %sub3A_284 = arith.constant 1 : i32
        %sub3A_285 = arith.subi %div3A_264, %sub3A_284 : i32
        %select_n3A_286 = arith.select %and3A_283, %sub3A_285, %div3A_264 : i32
        %jit3A_287 = arith.constant 16 : i32
        %div3A_288 = arith.divsi %min3A_158, %jit3A_287 : i32
        %sign3A_289 = arith.constant 0 : i32
        %sign3A_290 = arith.cmpi sgt, %min3A_158, %sign3A_289 : i32
        %sign3A_291 = arith.extui %sign3A_290 : i1 to i32
        %sign3A_292 = arith.constant 0 : i32
        %sign3A_293 = arith.cmpi slt, %min3A_158, %sign3A_292 : i32
        %sign3A_294 = arith.extui %sign3A_293 : i1 to i32
        %sign3A_295 = arith.subi %sign3A_291, %sign3A_294 : i32
        %sign3A_296 = arith.constant 0 : i32
        %sign3A_297 = arith.cmpi sgt, %jit3A_287, %sign3A_296 : i32
        %sign3A_298 = arith.extui %sign3A_297 : i1 to i32
        %sign3A_299 = arith.constant 0 : i32
        %sign3A_300 = arith.cmpi slt, %jit3A_287, %sign3A_299 : i32
        %sign3A_301 = arith.extui %sign3A_300 : i1 to i32
        %sign3A_302 = arith.subi %sign3A_298, %sign3A_301 : i32
        %ne3A_303 = arith.cmpi ne, %sign3A_295, %sign3A_302 : i32
        %rem3A_304 = arith.remsi %min3A_158, %jit3A_287 : i32
        %ne3A_305 = arith.constant 0 : i32
        %ne3A_306 = arith.cmpi ne, %rem3A_304, %ne3A_305 : i32
        %and3A_307 = arith.andi %ne3A_303, %ne3A_306 : i1
        %sub3A_308 = arith.constant 1 : i32
        %sub3A_309 = arith.subi %div3A_288, %sub3A_308 : i32
        %select_n3A_310 = arith.select %and3A_307, %sub3A_309, %div3A_288 : i32
        %max3A_311 = arith.maxsi %select_n3A_286, %select_n3A_310 : i32
        %parallel_loop3A = arith.constant 1 : i32
        scf.for %parallel_loop3A_312 = %select_n3A_286 to %max3A_311 step %parallel_loop3A  : i32 {
          %parallel_loop3A_313 = arith.constant 16 : i32
          %parallel_loop3A_314 = arith.muli %parallel_loop3A_312, %parallel_loop3A_313 : i32
          %parallel_loop3A_315 = arith.addi %mul3A_102, %parallel_loop3A_314 : i32
          %parallel_loop3A_316 = arith.index_cast %parallel_loop3A_315 : i32 to index
          %parallel_loop3A_317 = tpu.vector_load %arg5[%parallel_loop3A_316] {strides = array<i32>} : memref<6400xf32, #tpu.memory_space<vmem>>, vector<16xf32>,
          %parallel_loop3A_318 = arith.mulf %parallel_loop3A_317, %gather3A_160 : vector<16xf32>
          %parallel_loop3A_319 = arith.constant 16 : i32
          %parallel_loop3A_320 = arith.muli %parallel_loop3A_312, %parallel_loop3A_319 : i32
          %parallel_loop3A_321 = arith.index_cast %parallel_loop3A_320 : i32 to index
          %parallel_loop3A_322 = tpu.vector_load %arg6[%parallel_loop3A_321] {strides = array<i32>} : memref<3200xf32, #tpu.memory_space<vmem>>, vector<16xf32>,
          tpu.vector_store %arg6[%parallel_loop3A_321], %parallel_loop3A_318 {strides = array<i32>} : memref<3200xf32, #tpu.memory_space<vmem>>, vector<16xf32>,
        } {sc.loop_unroll_factor = 8 : i64, sc.parallel_access}
      } else {
      }
    }
    %while3A_134 = arith.constant 1 : i32
    scf.for %while3A_143 = %while3A_132 to %while3A_128 step %while3A_134  : i32 {
      %min3A = arith.constant 1 : i32
      %min3A_144 = vector.broadcast %min3A : i32 to vector<16xi32>
      %min3A_145 = arith.minsi %iota3A, %min3A_144 : vector<16xi32>
      %add3A_146 = vector.broadcast %while3A_143 : i32 to vector<16xi32>
      %add3A_147 = arith.addi %add3A_146, %min3A_145 : vector<16xi32>
      %gather3A = tpu.vector_load_idx %arg7[%add3A_147] : memref<32xi32, #tpu.memory_space<vmem>>[vector<16xi32>], vector<16xi32>,
      %slice3A_148 = vector.extract_strided_slice %gather3A {offsets = [0], sizes = [1], strides = [1]} : vector<16xi32> to vector<1xi32>
      %squeeze3A_149 = vector.extract %slice3A_148[0] : i32 from vector<1xi32>
      %sub3A_150 = arith.subi %squeeze3A_149, %add3A_103 : i32
      %jit3A_151 = arith.constant 0 : i32
      %max3A_152 = arith.maxsi %jit3A_151, %sub3A_150 : i32
      %min3A_153 = arith.minsi %select_n3A_108, %max3A_152 : i32
      %slice3A_154 = vector.extract_strided_slice %gather3A {offsets = [1], sizes = [1], strides = [1]} : vector<16xi32> to vector<1xi32>
      %squeeze3A_155 = vector.extract %slice3A_154[0] : i32 from vector<1xi32>
      %sub3A_156 = arith.subi %squeeze3A_155, %add3A_103 : i32
      %max3A_157 = arith.maxsi %min3A_153, %sub3A_156 : i32
      %min3A_158 = arith.minsi %select_n3A_108, %max3A_157 : i32
      %broadcast_in_dim3A_159 = vector.broadcast %while3A_143 : i32 to vector<16xi32>
      %gather3A_160 = tpu.vector_load_idx %arg9[%broadcast_in_dim3A_159] : memref<16xf32, #tpu.memory_space<vmem>>[vector<16xi32>], vector<16xf32>,
      %lt3A_161 = arith.cmpi slt, %min3A_153, %min3A_158 : i32
      %convert_element_type3A_162 = arith.extui %lt3A_161 : i1 to i32
      %cond3A_163 = arith.constant 0 : i32
      %cond3A_164 = arith.cmpi ne, %convert_element_type3A_162, %cond3A_163 : i32
      scf.if %cond3A_164 {
        %jit3A_165 = arith.constant 16 : i32
        %div3A_166 = arith.divsi %min3A_153, %jit3A_165 : i32
        %sign3A = arith.constant 0 : i32
        %sign3A_167 = arith.cmpi sgt, %min3A_153, %sign3A : i32
        %sign3A_168 = arith.extui %sign3A_167 : i1 to i32
        %sign3A_169 = arith.constant 0 : i32
        %sign3A_170 = arith.cmpi slt, %min3A_153, %sign3A_169 : i32
        %sign3A_171 = arith.extui %sign3A_170 : i1 to i32
        %sign3A_172 = arith.subi %sign3A_168, %sign3A_171 : i32
        %sign3A_173 = arith.constant 0 : i32
        %sign3A_174 = arith.cmpi sgt, %jit3A_165, %sign3A_173 : i32
        %sign3A_175 = arith.extui %sign3A_174 : i1 to i32
        %sign3A_176 = arith.constant 0 : i32
        %sign3A_177 = arith.cmpi slt, %jit3A_165, %sign3A_176 : i32
        %sign3A_178 = arith.extui %sign3A_177 : i1 to i32
        %sign3A_179 = arith.subi %sign3A_175, %sign3A_178 : i32
        %ne3A = arith.cmpi ne, %sign3A_172, %sign3A_179 : i32
        %rem3A = arith.remsi %min3A_153, %jit3A_165 : i32
        %ne3A_180 = arith.constant 0 : i32
        %ne3A_181 = arith.cmpi ne, %rem3A, %ne3A_180 : i32
        %and3A_182 = arith.andi %ne3A, %ne3A_181 : i1
        %sub3A_183 = arith.constant 1 : i32
        %sub3A_184 = arith.subi %div3A_166, %sub3A_183 : i32
        %select_n3A_185 = arith.select %and3A_182, %sub3A_184, %div3A_166 : i32
        %mul3A_186 = arith.constant 16 : i32
        %mul3A_187 = arith.muli %select_n3A_185, %mul3A_186 : i32
        %add3A_188 = arith.addi %mul3A_102, %mul3A_187 : i32
        %get3A_189 = arith.index_cast %add3A_188 : i32 to index
        %get3A_190 = tpu.vector_load %arg5[%get3A_189] {strides = array<i32>} : memref<6400xf32, #tpu.memory_space<vmem>>, vector<16xf32>,
        %mul3A_191 = arith.constant 16 : i32
        %mul3A_192 = arith.muli %select_n3A_185, %mul3A_191 : i32
        %add3A_193 = vector.broadcast %mul3A_192 : i32 to vector<16xi32>
        %add3A_194 = arith.addi %add3A_193, %iota3A : vector<16xi32>
        %ge3A = vector.broadcast %min3A_153 : i32 to vector<16xi32>
        %ge3A_195 = arith.cmpi sge, %add3A_194, %ge3A : vector<16xi32>
        %lt3A_196 = vector.broadcast %min3A_158 : i32 to vector<16xi32>
        %lt3A_197 = arith.cmpi slt, %add3A_194, %lt3A_196 : vector<16xi32>
        %and3A_198 = arith.andi %ge3A_195, %lt3A_197 : vector<16xi1>
        %mul3A_199 = arith.constant 16 : i32
        %mul3A_200 = arith.muli %select_n3A_185, %mul3A_199 : i32
        %get3A_201 = arith.index_cast %mul3A_200 : i32 to index
        %get3A_202 = tpu.vector_load %arg6[%get3A_201] {strides = array<i32>} : memref<3200xf32, #tpu.memory_space<vmem>>, vector<16xf32>,
        %mul3A_203 = arith.mulf %get3A_190, %gather3A_160 : vector<16xf32>
        %select_n3A_204 = arith.select %and3A_198, %mul3A_203, %get3A_202 : vector<16xi1>, vector<16xf32>
        %mul3A_205 = arith.constant 16 : i32
        %mul3A_206 = arith.muli %select_n3A_185, %mul3A_205 : i32
        %swap3A_207 = arith.index_cast %mul3A_206 : i32 to index
        %swap3A_208 = tpu.vector_load %arg6[%swap3A_207] {strides = array<i32>} : memref<3200xf32, #tpu.memory_space<vmem>>, vector<16xf32>,
        tpu.vector_store %arg6[%swap3A_207], %select_n3A_204 {strides = array<i32>} : memref<3200xf32, #tpu.memory_space<vmem>>, vector<16xf32>,
        %sub3A_209 = arith.constant 1 : i32
        %sub3A_210 = arith.subi %min3A_158, %sub3A_209 : i32
        %jit3A_211 = arith.constant 16 : i32
        %div3A_212 = arith.divsi %sub3A_210, %jit3A_211 : i32
        %sign3A_213 = arith.constant 0 : i32
        %sign3A_214 = arith.cmpi sgt, %sub3A_210, %sign3A_213 : i32
        %sign3A_215 = arith.extui %sign3A_214 : i1 to i32
        %sign3A_216 = arith.constant 0 : i32
        %sign3A_217 = arith.cmpi slt, %sub3A_210, %sign3A_216 : i32
        %sign3A_218 = arith.extui %sign3A_217 : i1 to i32
        %sign3A_219 = arith.subi %sign3A_215, %sign3A_218 : i32
        %sign3A_220 = arith.constant 0 : i32
        %sign3A_221 = arith.cmpi sgt, %jit3A_211, %sign3A_220 : i32
        %sign3A_222 = arith.extui %sign3A_221 : i1 to i32
        %sign3A_223 = arith.constant 0 : i32
        %sign3A_224 = arith.cmpi slt, %jit3A_211, %sign3A_223 : i32
        %sign3A_225 = arith.extui %sign3A_224 : i1 to i32
        %sign3A_226 = arith.subi %sign3A_222, %sign3A_225 : i32
        %ne3A_227 = arith.cmpi ne, %sign3A_219, %sign3A_226 : i32
        %rem3A_228 = arith.remsi %sub3A_210, %jit3A_211 : i32
        %ne3A_229 = arith.constant 0 : i32
        %ne3A_230 = arith.cmpi ne, %rem3A_228, %ne3A_229 : i32
        %and3A_231 = arith.andi %ne3A_227, %ne3A_230 : i1
        %sub3A_232 = arith.constant 1 : i32
        %sub3A_233 = arith.subi %div3A_212, %sub3A_232 : i32
        %select_n3A_234 = arith.select %and3A_231, %sub3A_233, %div3A_212 : i32
        %mul3A_235 = arith.constant 16 : i32
        %mul3A_236 = arith.muli %select_n3A_234, %mul3A_235 : i32
        %add3A_237 = arith.addi %mul3A_102, %mul3A_236 : i32
        %get3A_238 = arith.index_cast %add3A_237 : i32 to index
        %get3A_239 = tpu.vector_load %arg5[%get3A_238] {strides = array<i32>} : memref<6400xf32, #tpu.memory_space<vmem>>, vector<16xf32>,
        %mul3A_240 = arith.constant 16 : i32
        %mul3A_241 = arith.muli %select_n3A_234, %mul3A_240 : i32
        %add3A_242 = vector.broadcast %mul3A_241 : i32 to vector<16xi32>
        %add3A_243 = arith.addi %add3A_242, %iota3A : vector<16xi32>
        %ge3A_244 = vector.broadcast %min3A_153 : i32 to vector<16xi32>
        %ge3A_245 = arith.cmpi sge, %add3A_243, %ge3A_244 : vector<16xi32>
        %lt3A_246 = vector.broadcast %min3A_158 : i32 to vector<16xi32>
        %lt3A_247 = arith.cmpi slt, %add3A_243, %lt3A_246 : vector<16xi32>
        %and3A_248 = arith.andi %ge3A_245, %lt3A_247 : vector<16xi1>
        %mul3A_249 = arith.constant 16 : i32
        %mul3A_250 = arith.muli %select_n3A_234, %mul3A_249 : i32
        %get3A_251 = arith.index_cast %mul3A_250 : i32 to index
        %get3A_252 = tpu.vector_load %arg6[%get3A_251] {strides = array<i32>} : memref<3200xf32, #tpu.memory_space<vmem>>, vector<16xf32>,
        %mul3A_253 = arith.mulf %get3A_239, %gather3A_160 : vector<16xf32>
        %select_n3A_254 = arith.select %and3A_248, %mul3A_253, %get3A_252 : vector<16xi1>, vector<16xf32>
        %mul3A_255 = arith.constant 16 : i32
        %mul3A_256 = arith.muli %select_n3A_234, %mul3A_255 : i32
        %swap3A_257 = arith.index_cast %mul3A_256 : i32 to index
        %swap3A_258 = tpu.vector_load %arg6[%swap3A_257] {strides = array<i32>} : memref<3200xf32, #tpu.memory_space<vmem>>, vector<16xf32>,
        tpu.vector_store %arg6[%swap3A_257], %select_n3A_254 {strides = array<i32>} : memref<3200xf32, #tpu.memory_space<vmem>>, vector<16xf32>,
        %add3A_259 = arith.constant 16 : i32
        %add3A_260 = arith.addi %min3A_153, %add3A_259 : i32
        %sub3A_261 = arith.constant 1 : i32
        %sub3A_262 = arith.subi %add3A_260, %sub3A_261 : i32
        %jit3A_263 = arith.constant 16 : i32
        %div3A_264 = arith.divsi %sub3A_262, %jit3A_263 : i32
        %sign3A_265 = arith.constant 0 : i32
        %sign3A_266 = arith.cmpi sgt, %sub3A_262, %sign3A_265 : i32
        %sign3A_267 = arith.extui %sign3A_266 : i1 to i32
        %sign3A_268 = arith.constant 0 : i32
        %sign3A_269 = arith.cmpi slt, %sub3A_262, %sign3A_268 : i32
        %sign3A_270 = arith.extui %sign3A_269 : i1 to i32
        %sign3A_271 = arith.subi %sign3A_267, %sign3A_270 : i32
        %sign3A_272 = arith.constant 0 : i32
        %sign3A_273 = arith.cmpi sgt, %jit3A_263, %sign3A_272 : i32
        %sign3A_274 = arith.extui %sign3A_273 : i1 to i32
        %sign3A_275 = arith.constant 0 : i32
        %sign3A_276 = arith.cmpi slt, %jit3A_263, %sign3A_275 : i32
        %sign3A_277 = arith.extui %sign3A_276 : i1 to i32
        %sign3A_278 = arith.subi %sign3A_274, %sign3A_277 : i32
        %ne3A_279 = arith.cmpi ne, %sign3A_271, %sign3A_278 : i32
        %rem3A_280 = arith.remsi %sub3A_262, %jit3A_263 : i32
        %ne3A_281 = arith.constant 0 : i32
        %ne3A_282 = arith.cmpi ne, %rem3A_280, %ne3A_281 : i32
        %and3A_283 = arith.andi %ne3A_279, %ne3A_282 : i1
        %sub3A_284 = arith.constant 1 : i32
        %sub3A_285 = arith.subi %div3A_264, %sub3A_284 : i32
        %select_n3A_286 = arith.select %and3A_283, %sub3A_285, %div3A_264 : i32
        %jit3A_287 = arith.constant 16 : i32
        %div3A_288 = arith.divsi %min3A_158, %jit3A_287 : i32
        %sign3A_289 = arith.constant 0 : i32
        %sign3A_290 = arith.cmpi sgt, %min3A_158, %sign3A_289 : i32
        %sign3A_291 = arith.extui %sign3A_290 : i1 to i32
        %sign3A_292 = arith.constant 0 : i32
        %sign3A_293 = arith.cmpi slt, %min3A_158, %sign3A_292 : i32
        %sign3A_294 = arith.extui %sign3A_293 : i1 to i32
        %sign3A_295 = arith.subi %sign3A_291, %sign3A_294 : i32
        %sign3A_296 = arith.constant 0 : i32
        %sign3A_297 = arith.cmpi sgt, %jit3A_287, %sign3A_296 : i32
        %sign3A_298 = arith.extui %sign3A_297 : i1 to i32
        %sign3A_299 = arith.constant 0 : i32
        %sign3A_300 = arith.cmpi slt, %jit3A_287, %sign3A_299 : i32
        %sign3A_301 = arith.extui %sign3A_300 : i1 to i32
        %sign3A_302 = arith.subi %sign3A_298, %sign3A_301 : i32
        %ne3A_303 = arith.cmpi ne, %sign3A_295, %sign3A_302 : i32
        %rem3A_304 = arith.remsi %min3A_158, %jit3A_287 : i32
        %ne3A_305 = arith.constant 0 : i32
        %ne3A_306 = arith.cmpi ne, %rem3A_304, %ne3A_305 : i32
        %and3A_307 = arith.andi %ne3A_303, %ne3A_306 : i1
        %sub3A_308 = arith.constant 1 : i32
        %sub3A_309 = arith.subi %div3A_288, %sub3A_308 : i32
        %select_n3A_310 = arith.select %and3A_307, %sub3A_309, %div3A_288 : i32
        %max3A_311 = arith.maxsi %select_n3A_286, %select_n3A_310 : i32
        %parallel_loop3A = arith.constant 1 : i32
        scf.for %parallel_loop3A_312 = %select_n3A_286 to %max3A_311 step %parallel_loop3A  : i32 {
          %parallel_loop3A_313 = arith.constant 16 : i32
          %parallel_loop3A_314 = arith.muli %parallel_loop3A_312, %parallel_loop3A_313 : i32
          %parallel_loop3A_315 = arith.addi %mul3A_102, %parallel_loop3A_314 : i32
          %parallel_loop3A_316 = arith.index_cast %parallel_loop3A_315 : i32 to index
          %parallel_loop3A_317 = tpu.vector_load %arg5[%parallel_loop3A_316] {strides = array<i32>} : memref<6400xf32, #tpu.memory_space<vmem>>, vector<16xf32>,
          %parallel_loop3A_318 = arith.mulf %parallel_loop3A_317, %gather3A_160 : vector<16xf32>
          %parallel_loop3A_319 = arith.constant 16 : i32
          %parallel_loop3A_320 = arith.muli %parallel_loop3A_312, %parallel_loop3A_319 : i32
          %parallel_loop3A_321 = arith.index_cast %parallel_loop3A_320 : i32 to index
          %parallel_loop3A_322 = tpu.vector_load %arg6[%parallel_loop3A_321] {strides = array<i32>} : memref<3200xf32, #tpu.memory_space<vmem>>, vector<16xf32>,
          tpu.vector_store %arg6[%parallel_loop3A_321], %parallel_loop3A_318 {strides = array<i32>} : memref<3200xf32, #tpu.memory_space<vmem>>, vector<16xf32>,
        } {sc.loop_unroll_factor = 8 : i64, sc.parallel_access}
      } else {
      }
    }
    %not3A_135 = arith.constant true
    %not3A_136 = arith.xori %and3A, %not3A_135 : i1
    %convert_element_type3A_137 = arith.extui %not3A_136 : i1 to i32
    %cond3A_138 = arith.constant 0 : i32
    %cond3A_139 = arith.cmpi ne, %convert_element_type3A_137, %cond3A_138 : i32
    scf.if %cond3A_139 {
      "tpu.region"() ({
        %run_scoped3A = tpu.sem_alloc : memref<!tpu.dma_semaphore, #tpu.memory_space<semaphore_mem>>
        %dma_start3A_143 = tpu.memref_slice %arg4[%add3A_103] : memref<100000xf32, #tpu.memory_space<hbm>> -> memref<3200xf32, #tpu.memory_space<hbm>>
        %dma_start3A_144 = tpu.memref_slice %arg4[%add3A_103] : memref<100000xf32, #tpu.memory_space<hbm>> -> memref<3200xf32, #tpu.memory_space<hbm>>
        tpu.enqueue_dma source(%arg6 : memref<3200xf32, #tpu.memory_space<vmem>>) target(%dma_start3A_144 : memref<3200xf32, #tpu.memory_space<hbm>>) target_semaphore(%run_scoped3A : memref<!tpu.dma_semaphore, #tpu.memory_space<semaphore_mem>>)
        %dma_wait3A_145 = tpu.memref_slice %arg4[%add3A_103] : memref<100000xf32, #tpu.memory_space<hbm>> -> memref<3200xf32, #tpu.memory_space<hbm>>
        %dma_wait3A_146 = tpu.memref_slice %arg4[%add3A_103] : memref<100000xf32, #tpu.memory_space<hbm>> -> memref<3200xf32, #tpu.memory_space<hbm>>
        tpu.wait_dma2 semaphore(%run_scoped3A : memref<!tpu.dma_semaphore, #tpu.memory_space<semaphore_mem>>) src(%arg6 : memref<3200xf32, #tpu.memory_space<vmem>>) dst(%dma_wait3A_146 : memref<3200xf32, #tpu.memory_space<hbm>>)
        tpu.yield
      }) : () -> ()
    } else {
    }
    %convert_element_type3A_140 = arith.extui %and3A : i1 to i32
    %cond3A_141 = arith.constant 0 : i32
    %cond3A_142 = arith.cmpi ne, %convert_element_type3A_140, %cond3A_141 : i32
    scf.if %cond3A_142 {
      "tpu.region"() ({
        %run_scoped3A = tpu.sem_alloc : memref<!tpu.dma_semaphore, #tpu.memory_space<semaphore_mem>>
        %dma_start3A_143 = arith.constant 0 : i32
        %dma_start3A_144 = tpu.memref_slice %arg6[%dma_start3A_143] : memref<3200xf32, #tpu.memory_space<vmem>> -> memref<800xf32, #tpu.memory_space<vmem>>
        %dma_start3A_145 = arith.constant 99200 : i32
        %dma_start3A_146 = tpu.memref_slice %arg4[%dma_start3A_145] : memref<100000xf32, #tpu.memory_space<hbm>> -> memref<800xf32, #tpu.memory_space<hbm>>
        %dma_start3A_147 = arith.constant 99200 : i32
        %dma_start3A_148 = tpu.memref_slice %arg4[%dma_start3A_147] : memref<100000xf32, #tpu.memory_space<hbm>> -> memref<800xf32, #tpu.memory_space<hbm>>
        %dma_start3A_149 = arith.constant 0 : i32
        %dma_start3A_150 = tpu.memref_slice %arg6[%dma_start3A_149] : memref<3200xf32, #tpu.memory_space<vmem>> -> memref<800xf32, #tpu.memory_space<vmem>>
        tpu.enqueue_dma source(%dma_start3A_150 : memref<800xf32, #tpu.memory_space<vmem>>) target(%dma_start3A_148 : memref<800xf32, #tpu.memory_space<hbm>>) target_semaphore(%run_scoped3A : memref<!tpu.dma_semaphore, #tpu.memory_space<semaphore_mem>>)
        %dma_wait3A_151 = arith.constant 0 : i32
        %dma_wait3A_152 = tpu.memref_slice %arg6[%dma_wait3A_151] : memref<3200xf32, #tpu.memory_space<vmem>> -> memref<800xf32, #tpu.memory_space<vmem>>
        %dma_wait3A_153 = arith.constant 99200 : i32
        %dma_wait3A_154 = tpu.memref_slice %arg4[%dma_wait3A_153] : memref<100000xf32, #tpu.memory_space<hbm>> -> memref<800xf32, #tpu.memory_space<hbm>>
        %dma_wait3A_155 = arith.constant 99200 : i32
        %dma_wait3A_156 = tpu.memref_slice %arg4[%dma_wait3A_155] : memref<100000xf32, #tpu.memory_space<hbm>> -> memref<800xf32, #tpu.memory_space<hbm>>
        %dma_wait3A_157 = arith.constant 0 : i32
        %dma_wait3A_158 = tpu.memref_slice %arg6[%dma_wait3A_157] : memref<3200xf32, #tpu.memory_space<vmem>> -> memref<800xf32, #tpu.memory_space<vmem>>
        tpu.wait_dma2 semaphore(%run_scoped3A : memref<!tpu.dma_semaphore, #tpu.memory_space<semaphore_mem>>) src(%dma_wait3A_158 : memref<800xf32, #tpu.memory_space<vmem>>) dst(%dma_wait3A_156 : memref<800xf32, #tpu.memory_space<hbm>>)
        tpu.yield
      }) : () -> ()
    } else {
    }
    return
  }
}

</mosaic_0001>

<sc_bundles>
// kernel: kernel.3.cloned.1.call-start
scs
__scs_entry_jumppad:
0x0: {  	(pc) =	sbr.rel $0x88, $3  }
0x1: {  	(tag) =	ssettag $0x0;
	lr =	simm.s32 $0x1  }
0x2: {  	[smem:$0x3F9F] =	sst lr;
	_ =	strace $0xD0000000  }
0x3: {  	_ = 	snop  }
0x4: {  	_ = 	snop  }
0x5: {  	_ = 	snop  }
0x6: {  	_ = 	snop  }
0x7: {  	_ = 	snop  }
__scs_overlays_trampoline_lowered:
0x8: {  	[smem:$0x3FAE] =	sst s0  }
0x9: {  	[smem:$0x3FAF] =	sst s1  }
0xa: {  	[smem:$0x3FB0] =	sst s2  }
0xb: {  	[smem:$0x3FB1] =	sst s3  }
0xc: {  	[smem:$0x3FB2] =	sst s4  }
0xd: {  	[smem:$0x3FB3] =	sst s5  }
0xe: {  	[smem:$0x3FB4] =	sst s6  }
0xf: {  	[smem:$0x3FB5] =	sst s7  }
0x10: {  	[smem:$0x3FB6] =	sst s8  }
0x11: {  	[smem:$0x3FB7] =	sst s9;
	s0 =	simm.s32 @!p0 $0x0  }
0x12: {  	s1 =	sld [smem:$0x3F9D];
	s0 =	simm.s32 @p0 $0x1  }
0x13: {  	[smem:$0x3FB8] =	sst s0;
	s0 =	simm.s32 @!p1 $0x0  }
0x14: {  	s2 =	sld [smem:$0x3F9C];
	s0 =	simm.s32 @p1 $0x1  }
0x15: {  	[smem:$0x3FB9] =	sst s0;
	s0 =	simm.s32 @!p2 $0x0  }
0x16: {  	s3 =	sld [smem:$0x3FDB];
	s0 =	simm.s32 @p2 $0x1  }
0x17: {  	s4 =	simm.s32 $0x1BF5;
	[smem:$0x3FBB] =	sst s0  }
0x18: {  	s0 =	sld [smem:$0x3F9E];
	_ =	swait.ge [sflag:s4], $0x0  }
0x19: {  	s7 =	sld [smem:$0x3F9F]  }
0x1a: {  	s8 =	sadd.s32 $0xFFFFE003, lr  }
0x1b: {  	s9 =	sadd.s32 $0xFFFFFEF7, lr;
	s5 =	simm.s32 $0xFFFFFFFF;
	p2 =	slt.u32 s8, $0xFFFFF086  }
0x1c: {  	p1 =	slt.u32 s9, $0xF7A;
	s5 =	simm.s32 @!p2 $0x0  }
0x1d: {  	s5 =	simm.s32 @p1 $0x1;
	p0 =	seq.s32 s7, s2  }
0x1e: {  	s7 =	smul.u32 @!p0 $0xF7A, s2;
	p2 =	seq.s32 @!p0 s5, $0x0  }
0x1f: {  	s9 =	smul.u32 $0xF7A, s1;
	s8 =	simm.s32 @!p0 $0x1BF5;
	p2 =	por !p2, p0  }
0x20: {  	[sflag:s8] =	ssyncset.s32 @!p0 $0xFFFFF086;
	s6 =	sadd.s32 @!p0 s3, s7;
	s7 =	simm.s32 @!p0 $0x108  }
0x21: {  	s3 =	sadd.s32 s3, s9;
	s6 =	sadd.s32 @!p0 $0x88, s6;
	s7 =	simm.s32 @p2 $0x1082  }
0x22: {  	[simem:s7], [sflag:s8] =	dma.local @!p0 [hbm:s6], $0xF7A  }
0x23: {  	s9 =	sor.u32 $0xD0000000, s2;
	s6 =	simm.s32 $0x108;
	_ =	swait.ge @!p0 [sflag:s8], $0x0  }
0x24: {  	s3 =	sadd.s32 $0x88, s3;
	s6 =	simm.s32 @!p1 $0x1082;
	[sflag:s4] =	ssyncset.s32 $0xFFFFF086  }
0x25: {  	[simem:s6], [sflag:s4] =	dma.local [hbm:s3], $0xF7A  }
0x26: {  	[smem:$0x3F9F] =	sst s1;
	(tag) =	ssettag s2;
	_ =	strace s9  }
0x27: {  	s1 =	sld [smem:$0x3FAF]  }
0x28: {  	s2 =	sld [smem:$0x3FB0]  }
0x29: {  	s4 =	sld [smem:$0x3FB2]  }
0x2a: {  	p0 =	seq.s32 s5, $0x0;
	s5 =	sld [smem:$0x3FB3]  }
0x2b: {  	s6 =	sld [smem:$0x3FB4]  }
0x2c: {  	s7 =	sld [smem:$0x3FB5]  }
0x2d: {  	s3 =	simm.s32 $0x108;
	s8 =	sld [smem:$0x3FB6]  }
0x2e: {  	s3 =	simm.s32 @!p0 $0x1082;
	s9 =	sld [smem:$0x3FB7]  }
0x2f: {  	lr =	sadd.s32 s0, s3;
	s0 =	sld [smem:$0x3FAE]  }
0x30: {  	s3 =	sld [smem:$0x3FB1]  }
0x31: {  	[smem:$0x3FBA] =	sst s10  }
0x32: {  	s10 =	sld [smem:$0x3FB8];
	_ =	sdelay $0x3  }
0x33: {  	p0 =	seq.s32 s10, $0x1;
	s10 =	sld [smem:$0x3FBA];
	_ =	sdelay $0x3  }
0x34: {  	[smem:$0x3FBA] =	sst s10  }
0x35: {  	s10 =	sld [smem:$0x3FB9];
	_ =	sdelay $0x3  }
0x36: {  	p1 =	seq.s32 s10, $0x1;
	s10 =	sld [smem:$0x3FBA];
	_ =	sdelay $0x3  }
0x37: {  	[smem:$0x3FBA] =	sst s10  }
0x38: {  	s10 =	sld [smem:$0x3FBB]  }
0x39: {  	_ = 	snop;
	(pc) =	sbr.ind lr, $3  }
0x3a: {  	_ = 	snop  }
0x3b: {  	_ = 	snop  }
0x3c: {  	p2 =	seq.s32 s10, $0x1;
	s10 =	sld [smem:$0x3FBA]  }
0x3d: {  	_ =	shalt  }
0x3e: {  	_ =	shalt  }
0x3f: {  	_ =	shalt  }
0x40: {  	_ =	shalt  }
0x41: {  	_ =	shalt  }
0x42: {  	_ =	shalt  }
0x43: {  	_ =	shalt  }
0x44: {  	_ =	shalt  }
0x45: {  	_ =	shalt  }
0x46: {  	_ =	shalt  }
0x47: {  	_ =	shalt  }
0x48: {  	_ =	shalt  }
0x49: {  	_ =	shalt  }
0x4a: {  	_ =	shalt  }
0x4b: {  	_ =	shalt  }
0x4c: {  	_ =	shalt  }
0x4d: {  	_ =	shalt  }
0x4e: {  	_ =	shalt  }
0x4f: {  	_ =	shalt  }
0x50: {  	_ =	shalt  }
0x51: {  	_ =	shalt  }
0x52: {  	_ =	shalt  }
0x53: {  	_ =	shalt  }
0x54: {  	_ =	shalt  }
0x55: {  	_ =	shalt  }
0x56: {  	_ =	shalt  }
0x57: {  	_ =	shalt  }
0x58: {  	_ =	shalt  }
0x59: {  	_ =	shalt  }
0x5a: {  	_ =	shalt  }
0x5b: {  	_ =	shalt  }
0x5c: {  	_ =	shalt  }
0x5d: {  	_ =	shalt  }
0x5e: {  	_ =	shalt  }
0x5f: {  	_ =	shalt  }
0x60: {  	_ =	shalt  }
0x61: {  	_ =	shalt  }
0x62: {  	_ =	shalt  }
0x63: {  	_ =	shalt  }
0x64: {  	_ =	shalt  }
0x65: {  	_ =	shalt  }
0x66: {  	_ =	shalt  }
0x67: {  	_ =	shalt  }
0x68: {  	_ =	shalt  }
0x69: {  	_ =	shalt  }
0x6a: {  	_ =	shalt  }
0x6b: {  	_ =	shalt  }
0x6c: {  	_ =	shalt  }
0x6d: {  	_ =	shalt  }
0x6e: {  	_ =	shalt  }
0x6f: {  	_ =	shalt  }
0x70: {  	_ =	shalt  }
0x71: {  	_ =	shalt  }
0x72: {  	_ =	shalt  }
0x73: {  	_ =	shalt  }
0x74: {  	_ =	shalt  }
0x75: {  	_ =	shalt  }
0x76: {  	_ =	shalt  }
0x77: {  	_ =	shalt  }
0x78: {  	_ =	shalt  }
0x79: {  	_ =	shalt  }
0x7a: {  	_ =	shalt  }
0x7b: {  	_ =	shalt  }
0x7c: {  	_ =	shalt  }
0x7d: {  	_ =	shalt  }
0x7e: {  	_ =	shalt  }
0x7f: {  	_ =	shalt  }
0x80: {  	_ =	shalt  }
0x81: {  	_ =	shalt  }
0x82: {  	_ =	shalt  }
0x83: {  	_ =	shalt  }
0x84: {  	_ =	shalt  }
0x85: {  	_ =	shalt  }
0x86: {  	_ =	shalt  }
0x87: {  	_ =	shalt  }
.Lfunc_end0:
.L_simem_size_0:
called_computation_lowered:
.L_overlay_start_0:
0x88: {  	s2 =	sld [smem:$0x3FD9]  }
0x89: {  	s3 =	sld [smem:$0x3FFE];
	_ =	sdelay $0x1  }
0x8a: {  	s1 =	srdreg.scid  }
0x8b: {  	s0 =	sand.u32 $0x1, s1  }
0x8c: {  	s18 =	sshll.u32 s0, $0xA;
	s2 =	sadd.s32 s3, s2  }
0x8d: {  	s2 =	sadd.s32 s2, s18  }
0x8e: {  	[smem:$0x3FC6] =	sst s2  }
0x8f: {  	_ = 	snop  }
0x90: {  	s2 =	sld [smem:$0x3FC9]  }
0x91: {  	s19 =	sld [smem:$0x3FC8]  }
0x92: {  	s4 =	sld [smem:$0x3FD0];
	(tm) =	ssettm $0x1  }
0x93: {  	s5 =	sld [smem:$0x3FFB];
	_ =	sdelay $0x3  }
0x94: {  	_ =	strace s5  }
0x95: {  	s5 =	sld [smem:$0x3FFC];
	_ =	sdelay $0x3  }
0x96: {  	_ =	strace s5  }
0x97: {  	s5 =	sld [smem:$0x3FFD];
	_ =	sdelay $0x3  }
0x98: {  	_ =	strace s5  }
0x99: {  	_ =	strace $0x8FFFFFFF  }
0x9a: {  	s20 =	sld [smem:$0x3FDB];
	_ =	sdelay $0x1  }
0x9b: {  	s6 =	simm.s32 $_scs_section_size  }
0x9c: {  	s7 =	simm.s32 $_size__tile_overlayer_lowered;
	s8 =	simm.s32 $_tile_overlayer_lowered  }
0x9d: {  	s23 =	simm.s32 $0x1BFF;
	s22 =	sshll.u32 s8, $0x1;
	s5 =	sadd.s32 s6, s20  }
0x9e: {  	s9 =	simm.s32 $0x0;
	s21 =	sshll.u32 s7, $0x1;
	s7 =	sadd.s32 s22, s5  }
0x9f: {  	[timem:s9], [sflag:s23] =	dma.local [hbm:s7], s21  }
0xa0: {  	_ =	swait.ge [sflag:s23], s21  }
0xa1: {  	s6 =	ssub.s32 $0x0, s21;
	[sflag:s23] =	ssyncset.done $0x0  }
0xa2: {  	[sflag:s23] =	ssyncadd.s32 s6;
	_ =	sdelay $0x1  }
0xa3: {  	s24 =	simm.s32 $0x1B8B  }
0xa4: {  	_ =	swait.ge [sflag:s24], $0x1  }
0xa5: {  	[sflag:s24] =	ssyncset.done $0x0  }
0xa6: {  	s25 =	simm.s32 $0x1B8E;
	[sflag:s24] =	ssyncadd.s32 $0xFFFFFFFF  }
0xa7: {  	s26 =	simm.s32 $execute0_lowered;
	[smem:$0x3FD2] =	sst s25  }
0xa8: {  	s6 =	sshll.u32 s26, $0x1;
	_ =	strace $0x80000046;
	[dreg:$0x1] =	wrdreg $0xFFFFFFFF  }
0xa9: {  	s28 =	simm.s32 $_size_execute0_lowered;
	s5 =	sadd.s32 s5, s6;
	[dreg:$0x0] =	wrdreg $0x0  }
0xaa: {  	s6 =	sshll.u32 s28, $0x1;
	[dreg:$0x2] =	wrdreg s5  }
0xab: {  	[dreg:$0x3] =	wrdreg s6  }
0xac: {  	[dreg:$0x4] =	wrdreg $0xC0  }
0xad: {  	_ =	task [dreg:s9], $0x5FFFF  }
0xae: {  	[dreg:$0x1] =	wrdreg $0xFFFFFFFF  }
0xaf: {  	[dreg:$0x0] =	wrdreg $0x60  }
0xb0: {  	[dreg:$0x2] =	wrdreg s2  }
0xb1: {  	[dreg:$0x3] =	wrdreg s19  }
0xb2: {  	[dreg:$0x4] =	wrdreg s4  }
0xb3: {  	[dreg:$0x5] =	wrdreg $0x28000  }
0xb4: {  	[dreg:$0x6] =	wrdreg $0x9  }
0xb5: {  	_ =	task.clear_ibuf [dreg:s9], $0x7FFFF;
	_ =	strace $0x90000046  }
0xb6: {  	s29 =	simm.s32 $0x9;
	_ =	strace $0x80000048  }
0xb7: {  	_ =	swait.ge [sflag:s29], $0x1  }
0xb8: {  	[sflag:s29] =	ssyncadd.s32 $0xFFFFFFFF  }
0xb9: {  	_ =	strace $0x90000048  }
0xba: {  	_ =	sfence  }
0xbb: {  	s30 =	sld [smem:$0x0];
	_ =	sdelay $0x2  }
0xbc: {  	s31 =	sshll.u32 s1, $0xD;
	s1 =	sshrl.u32 s1, $0x2  }
0xbd: {  	s3 =	sand.u32 $0x4000, s31;
	s1 =	sadd.s32 s1, s30  }
0xbe: {  	s0 =	sor.u32 s3, s0;
	s1 =	sshll.u32 s1, $0x11  }
0xbf: {  	s0 =	sor.u32 s1, s0  }
0xc0: {  	s0 =	sadd.s32 $0x8F2B, s0  }
0xc1: {  	[sflag:s0] =	ssyncadd.remote.s32 $0x1  }
0xc2: {  	_ =	sfence.sel $0xFFFF  }
0xc3: {  	[dreg:$0x0] =	wrdreg $0xFFFFFFFF;
	(pc) =	sbr.abs _section_cstart, $3  }
0xc4: {  	[dreg:$0x1] =	wrdreg $0xFFFFFFFF  }
0xc5: {  	_ =	task.clear_ibuf [dreg:s9], $0x2FFFF;
	_ =	strace $0x9FFFFFFF  }
0xc6: {  	(tm) =	ssettm $0x7FFFFFFF  }
0xc7: {  	_ =	shalt  }
tec
execute0_lowered:
.L_overlay_start_1:
0x0: {  	(tag) =	ssettag $0x1  }
0x1: {  	s0 =	rddreg [dreg:$0x0]  }
0x2: {  	s1 =	rddreg [dreg:$0x2]  }
0x3: {  	s6 =	rddreg [dreg:$0x3];
	s2 =	srdreg.scid;
	s3 =	simm.s32 $0x0  }
0x4: {  	s5 =	stileid.u32;
	s9 =	simm.s32 $0x320;
	s21 =	simm.s32 $0x2580  }
0x5: {  	s28 =	simm.s32 $0x0;
	s2 =	sand.u32 $0x1, s2;
	[smem:$0x7FF] =	sst s3  }
0x6: {  	s8 =	smul.u32 $0x1900, s5;
	p0 =	seq.s32 s5, $0xF;
	s24 =	sshll.u32 s5, $0x4  }
0x7: {  	s30 =	sadd.s32 $0x3070, s1;
	s22 =	ssub.s32 $0x2, s2;
	_ =	strace $0x80000047  }
0x8: {  	s7 =	smul.u32 $0xC80, s2;
	p1 =	seq.s32 s2, $0x1;
	[dreg:$0xa] =	wrdreg s30  }
0x9: {  	s4 =	sshrl.u32 s22, $0x1;
	s23 =	sshrl.u32 s8, $0x3;
	p1 =	por !p0, !p1  }
0xa: {  	[dreg:$0x5] =	wrdreg s8;
	s3 =	ssub.s32 s22, s4;
	s4 =	sadd.s32 s0, s23  }
0xb: {  	s0 =	sadd.s32 $0x2EE0, s0;
	s25 =	sadd.s32 s7, s8;
	p1 =	por !p1, !p1  }
0xc: {  	s14 =	sor.u32 $0x70, s7;
	s15 =	sor.u32 $0x10, s7;
	s16 =	sor.u32 $0x60, s7  }
0xd: {  	s17 =	sor.u32 $0x50, s7;
	s18 =	sor.u32 $0x40, s7;
	s19 =	sor.u32 $0x20, s7  }
.Ltmp0:
0xe: {  	s20 =	sor.u32 $0x30, s7;
	[dreg:$0x6] =	wrdreg s4;
	(pc) =	sbr.rel .LBB2_1-.Ltmp0, $4  }
0xf: {  	[dreg:$0x7] =	wrdreg s0;
	s0 =	sadd.s32 s24, s6;
	s9 =	simm.s32 @!p1 $0xC80  }
0x10: {  	v4 =	vimm.s32 $0x1;
	vm0 =	vcmask $0x300;
	s26 =	sshrl.u32 s25, $0x3;
	s31 =	smax.u32 s3, $0x1;
	[dreg:$0x8] =	wrdreg s0  }
0x11: {  	v3 =	vimm.s32 $0x186A0;
	v5 =	vlaneseq.u32;
	v4 =	vsel vm0, $0x0, v4;
	s29 =	sadd.s32 s25, s9;
	s0 =	sadd.s32 s1, s26;
	[dreg:$0xb] =	wrdreg s31  }
0x12: {  	v0 =	vmov s8;
	v1 =	vmov s25;
	s24 =	simm.s32 $0x2;
	s26 =	simm.s32 $0x2680;
	[dreg:$0x9] =	wrdreg s0;
	v2 =	vmov s29  }
.LBB2_21:
0x13: {  	s0 =	simm.s32 @!p1 $0x0;
	s1 =	simm.s32 @!p1 $0x1900;
	s2 =	rddreg [dreg:$0x9]  }
0x14: {  	[hbm4b:s2+s0] =	stream.linear.scatter @!p1 [tilespmem:s1], [sflag:$0x2], $0xC80, $0x38;
	[tilespmem:$0x2810] =	vst v63  }
0x15: {  	s0 =	simm.s32 @!p1 $0x2  }
0x16: {  	_ =	swait.ge @!p1 [sflag:s0], $0xC80  }
0x17: {  	s1 =	simm.s32 @p1 $0x1900;
	[sflag:s0] =	ssyncset.done @!p1 $0x0  }
0x18: {  	s2 =	rddreg [dreg:$0xa];
	[sflag:s0] =	ssyncadd.s32 @!p1 $0xFFFFF380;
	s0 =	simm.s32 @p1 $0x0  }
0x19: {  	[hbm4b:s2+s0] =	stream.linear.scatter @p1 [tilespmem:s1], [sflag:$0x2], $0x320, $0x38;
	[tilespmem:$0x2810] =	vst v63  }
0x1a: {  	s0 =	simm.s32 @p1 $0x2  }
0x1b: {  	_ =	swait.ge @p1 [sflag:s0], $0x320  }
0x1c: {  	s28 =	sadd.s32 $0x1, s28;
	s31 =	rddreg [dreg:$0xb]  }
0x1d: {  	p2 =	sne.s32 s28, s31  }
.Ltmp1:
0x1e: {  	_ = 	snop;
	(pc) =	sbr.rel @!p2 .LBB2_22-.Ltmp1, $3  }
0x1f: {  	_ =	sdelay $0x1  }
0x20: {  	[sflag:s0] =	ssyncset.done @p1 $0x0  }
0x21: {  	[sflag:s0] =	ssyncadd.s32 @p1 $0xFFFFFCE0  }
.LBB2_1:
0x22: {  	s0 =	rddreg [dreg:$0x1];
	s1 =	simm.s32 $0x0  }
0x23: {  	[tilespmem:s21], [sflag:$0x1] =	stream.linear.gather [hbm4b:s0+s1], $0x10, $0x38;
	[tilespmem:$0x2810] =	vst v63  }
0x24: {  	s0 =	simm.s32 @p0 $0x0;
	s1 =	rddreg [dreg:$0x7]  }
0x25: {  	[tilespmem:s0], [sflag:$0x2] =	stream.linear.gather @p0 [hbm4b:s1+s0], $0xFA0, $0x38;
	[tilespmem:$0x2810] =	vst v63  }
0x26: {  	s0 =	simm.s32 @p0 $0x2  }
0x27: {  	_ =	swait.ge @p0 [sflag:s0], $0xFA0  }
0x28: {  	[sflag:s0] =	ssyncset.done @p0 $0x0  }
0x29: {  	s1 =	rddreg [dreg:$0x6];
	[sflag:s0] =	ssyncadd.s32 @p0 $0xFFFFF060;
	s0 =	simm.s32 @!p0 $0x0  }
0x2a: {  	[tilespmem:s0], [sflag:$0x2] =	stream.linear.gather @!p0 [hbm4b:s1+s0], $0x1900, $0x38;
	[tilespmem:$0x2810] =	vst v63  }
0x2b: {  	s0 =	simm.s32 @!p0 $0x2  }
0x2c: {  	_ =	swait.ge @!p0 [sflag:s0], $0x1900  }
0x2d: {  	[sflag:s0] =	ssyncset.done @!p0 $0x0  }
0x2e: {  	s29 =	simm.s32 $0x1;
	[sflag:s0] =	ssyncadd.s32 @!p0 $0xFFFFE700  }
0x2f: {  	_ =	swait.ge [sflag:s29], $0x10  }
0x30: {  	[sflag:s29] =	ssyncset.done $0x0  }
0x31: {  	[sflag:s29] =	ssyncadd.s32 $0xFFFFFFF0  }
0x32: {  	v6 =	vld [tilespmem:$0x2580];
	_ =	sdelay $0x2  }
0x33: {  	s0 =	simm.s32 @!p0 $0x1900  }
0x34: {  	s0 =	simm.s32 @p0 $0xFA0;
	s30 =	rddreg [dreg:$0x5]  }
0x35: {  	s1 =	sadd.s32 s30, s0;
	vm0 =	vle.s32 v6, v0  }
0x36: {  	vm15 =	vlt.s32 v6, s1;
	v7 =	vmpcnt.ones.xlane vm0  }
0x37: {  	v8 =	vmpcnt.ones.xlane vm15  }
0x38: {  	(v2sf) =	vpush v7, $0x0  }
0x39: {  	(v2sf) =	vpush v8, $0x0;
	_ =	sdelay $0xd  }
0x3a: {  	s31 =	spop (v2sf)  }
0x3b: {  	s1 =	sadd.s32 $0xFFFFFFFF, s31;
	s2 =	spop (v2sf)  }
0x3c: {  	p2 =	sge.s32 s1, s2  }
.Ltmp2:
0x3d: {  	_ = 	snop;
	(pc) =	sbr.rel @!p2 .LBB2_2-.Ltmp2, $2  }
0x3e: {  	_ =	sdelay $0x2  }
0x3f: {  	[tilespmem:$0x2590] =	vst v3;
	v7 =	vimm.f32 $-Inf  }
.LBB2_12:
0x40: {  	[tilespmem:$0x2600] =	vst v7;
	s0 =	rddreg [dreg:$0x8];
	s1 =	simm.s32 $0x2600  }
0x41: {  	[spmem:s0] =	stream.linear.scatter [tilespmem:s1], [sflag:$0x2], $0x10, $0x38;
	[tilespmem:$0x2810] =	vst v63  }
0x42: {  	_ =	swait.ge [sflag:s24], $0x10  }
0x43: {  	[sflag:s24] =	ssyncset.done $0x0  }
0x44: {  	[sflag:s24] =	ssyncadd.s32 $0xFFFFFFF0  }
0x45: {  	[bflag:$0x0] =	sbarrier.arrive $0xFFFF  }
0x46: {  	s25 =	simm.s32 $0x2700;
	s23 =	rddreg [dreg:$0x3]  }
0x47: {  	[tilespmem:s25], [sflag:$0x2] =	stream.linear.gather [spmem:s23], $0x100, $0x38;
	[tilespmem:$0x2810] =	vst v63  }
0x48: {  	_ =	swait.ge [sflag:s24], $0x100  }
0x49: {  	[sflag:s24] =	ssyncset.done $0x0  }
0x4a: {  	[sflag:s24] =	ssyncadd.s32 $0xFFFFFF00  }
0x4b: {  	v7 =	vld [tilespmem:$0x2700]  }
0x4c: {  	v8 =	vld [tilespmem:$0x2710]  }
0x4d: {  	v9 =	vld [tilespmem:$0x2720]  }
0x4e: {  	v10 =	vld [tilespmem:$0x2730]  }
0x4f: {  	v11 =	vld [tilespmem:$0x2740]  }
0x50: {  	v12 =	vld [tilespmem:$0x2750]  }
0x51: {  	vm0 =	vle.s32 v6, v1;
	v54 =	vld [tilespmem:$0x2760];
	v7 =	vmax.f32 v7, v8  }
0x52: {  	vm15 =	vlt.s32 v6, v2;
	v13 =	vmpcnt.ones.xlane vm0;
	v55 =	vld [tilespmem:$0x2770];
	v7 =	vmax.f32 v7, v9  }
0x53: {  	v60 =	vmpcnt.ones.xlane vm15;
	v56 =	vld [tilespmem:$0x2780];
	v7 =	vmax.f32 v7, v10  }
0x54: {  	(v2sf) =	vpush v13, $0x0;
	v57 =	vld [tilespmem:$0x2790];
	v7 =	vmax.f32 v7, v11  }
0x55: {  	(v2sf) =	vpush v60, $0x0;
	v58 =	vld [tilespmem:$0x27A0];
	v7 =	vmax.f32 v7, v12  }
0x56: {  	v59 =	vld [tilespmem:$0x27B0];
	v7 =	vmax.f32 v7, v54  }
0x57: {  	v6 =	vmax.f32 v7, v55;
	v7 =	vld [tilespmem:$0x27C0]  }
0x58: {  	v61 =	vld [tilespmem:$0x27D0];
	v6 =	vmax.f32 v6, v56  }
0x59: {  	v62 =	vld [tilespmem:$0x27E0];
	v6 =	vmax.f32 v6, v57  }
0x5a: {  	v63 =	vld [tilespmem:$0x27F0];
	v6 =	vmax.f32 v6, v58  }
0x5b: {  	v6 =	vmax.f32 v6, v59  }
0x5c: {  	v6 =	vmax.f32 v6, v7  }
0x5d: {  	v6 =	vmax.f32 v6, v61  }
0x5e: {  	v6 =	vmax.f32 v6, v62  }
0x5f: {  	v6 =	vmax.f32 v6, v63  }
0x60: {  	(erf) = vrcp.f32 v6;
	_ =	sdelay $0x2  }
0x61: {  	s31 =	spop (v2sf)  }
0x62: {  	s29 =	sadd.s32 $0xFFFFFFFF, s31;
	s30 =	spop (v2sf)  }
0x63: {  	p2 =	sge.s32 s29, s30  }
.Ltmp3:
0x64: {  	_ = 	snop;
	(pc) =	sbr.rel @p2 .LBB2_21-.Ltmp3, $4  }
.Ltmp4:
0x65: {  	_ = 	snop;
	(pc) =	sbr.rel @!p2 .LBB2_13-.Ltmp4, $4  }
0x66: {  	_ = 	snop  }
0x67: {  	v6 =	vpop (erf)  }
0x68: {  	[tilespmem:$0x2680] =	vst v6  }
0x69: {  	_ = 	snop  }
.LBB2_20:
0x6a: {  	s29 =	sadd.s32 $0x1, s29  }
0x6b: {  	p2 =	sne.s32 s29, s30  }
.Ltmp5:
0x6c: {  	_ = 	snop;
	(pc) =	sbr.rel @!p2 .LBB2_21-.Ltmp5, $1  }
0x6d: {  	_ =	sdelay $0x3  }
.LBB2_13:
0x6e: {  	v6 =	vadd.s32 s29, v4;
	_ =	sdelay $0x4  }
0x6f: {  	v6 =	vld.idx.msk [tilespmem:v6+s21+$0x0], $0xffff;
	_ =	sdelay $0x4  }
0x70: {  	v6 =	vsub.s32 v6, v1  }
0x71: {  	(v2sf) =	vpush v6, $0x0;
	_ =	sdelay $0x2  }
0x72: {  	(v2sf) =	vpush v6, $0x1;
	_ =	sdelay $0xb  }
0x73: {  	s3 =	spop (v2sf)  }
0x74: {  	p2 =	sgt.s32 s3, $0x0;
	s4 =	smov.u32 s3  }
0x75: {  	s4 =	simm.s32 @!p2 $0x0  }
0x76: {  	s0 =	spop (v2sf);
	s1 =	smin.u32 s9, s4  }
0x77: {  	p2 =	sgt.s32 s1, s0  }
0x78: {  	s0 =	smov.u32 @p2 s1  }
0x79: {  	s2 =	smin.u32 s9, s0  }
0x7a: {  	p2 =	sge.u32 s4, s2  }
.Ltmp6:
0x7b: {  	_ = 	snop;
	(pc) =	sbr.rel @p2 .LBB2_20-.Ltmp6, $1  }
0x7c: {  	_ =	sdelay $0x3  }
0x7d: {  	s4 =	sand.u32 $0xF, s1  }
0x7e: {  	p2 =	slt.s32 s3, $0x1;
	p3 =	sne.s32 s4, $0x0  }
0x7f: {  	p2 =	por !p2, !p3  }
0x80: {  	s3 =	simm.s32 $0xFFFFFFFF;
	p2 =	por !p2, !p2  }
0x81: {  	v6 =	vmov s29;
	s3 =	simm.s32 @!p2 $0x0  }
0x82: {  	s3 =	sshll.u32 s3, $0x4  }
0x83: {  	s3 =	sadd.s32 s1, s3  }
0x84: {  	s25 =	sadd.s32 $0xFFFFFFFF, s2;
	s13 =	sadd.s32 s7, s3  }
0x85: {  	s22 =	sand.u32 $0xF, s25;
	s23 =	sand.u32 $0x70, s3;
	s4 =	sand.u32 $0xFFFFFF80, s13  }
0x86: {  	p5 =	slt.u32 s0, $0x2;
	p6 =	sne.s32 s22, $0x0;
	v6 =	vld.idx.msk [tilespmem:v6+s26+$0x0], $0xffff;
	s4 =	sor.u32 s23, s4  }
0x87: {  	p2 =	por !p5, !p6;
	v7 =	vld [tilespmem:s4+$0x0]  }
0x88: {  	p2 =	por !p2, !p2;
	s5 =	sand.u32 $0xFFFFFFF0, s3;
	s3 =	simm.s32 $0xFFFFFFFF  }
0x89: {  	v8 =	vld [tilespmem:s5+$0x1900];
	s3 =	simm.s32 @!p2 $0x0  }
0x8a: {  	s3 =	sshll.u32 s3, $0x4  }
0x8b: {  	v9 =	vor.u32 s5, v5;
	s3 =	sadd.s32 s25, s3  }
0x8c: {  	s11 =	sadd.s32 $0xF, s1;
	s13 =	sshrl.u32 s2, $0x4;
	vm0 =	vge.s32 v9, s1;
	vm1 =	vlt.s32 v9, s2;
	s6 =	sadd.s32 s7, s3;
	v7 =	vmul.f32 v7, v6  }
0x8d: {  	vm0 =	vmand vm0, vm1;
	s8 =	sand.u32 $0x70, s3;
	s12 =	sand.u32 $0xFFFFFFF0, s3;
	s3 =	sshrl.u32 s11, $0x4  }
0x8e: {  	s4 =	sand.u32 $0xFFFFFF80, s6;
	s31 =	smax.u32 s3, s13;
	v7 =	vsel vm0, v7, v8  }
0x8f: {  	s10 =	sor.u32 s8, s4;
	s0 =	ssub.s32 s31, s3;
	[tilespmem:s5+$0x1900] =	vst v7  }
0x90: {  	s22 =	sshrl.u32 s0, $0x1D;
	v7 =	vld [tilespmem:s10+$0x0]  }
0x91: {  	v63 =	vor.u32 s12, v5;
	s25 =	sadd.s32 s22, s0  }
0x92: {  	vm15 =	vlt.s32 v63, s2;
	s2 =	sand.u32 $0xFFFFFFF8, s25;
	v8 =	vld [tilespmem:s12+$0x1900]  }
0x93: {  	p2 =	slt.s32 s2, $0x1  }
.Ltmp7:
0x94: {  	_ = 	snop;
	(pc) =	sbr.rel @p2 .LBB2_17-.Ltmp7, $4  }
0x95: {  	vm14 =	vge.s32 v63, s1;
	v7 =	vmul.f32 v7, v6  }
0x96: {  	vm0 =	vmand vm14, vm15  }
0x97: {  	v7 =	vsel vm0, v7, v8  }
0x98: {  	s1 =	sadd.s32 s3, s2;
	[tilespmem:s12+$0x1900] =	vst v7  }
0x99: {  	s4 =	sshll.u32 s3, $0x4;
	s25 =	sand.u32 $0x7, s3;
	s6 =	sshll.u32 s3, $0x6  }
0x9a: {  	s23 =	sadd.s32 s4, s7;
	s25 =	sshll.u32 s25, $0x6;
	s12 =	sadd.s32 s4, s14  }
0x9b: {  	s8 =	sadd.s32 s4, s15;
	s10 =	sadd.s32 $0x40, s6;
	s11 =	sadd.s32 $0x1C0, s6  }
0x9c: {  	s13 =	sadd.s32 s4, s16;
	s22 =	sadd.s32 $0x180, s6;
	s5 =	sadd.s32 s4, s18  }
0x9d: {  	s23 =	sshll.u32 s23, $0x2;
	s8 =	sshll.u32 s8, $0x2;
	s10 =	sand.u32 $0x1C0, s10  }
0x9e: {  	s11 =	sand.u32 $0x1C0, s11;
	s23 =	sand.u32 $0xFE00, s23;
	s8 =	sand.u32 $0xFE00, s8  }
0x9f: {  	s23 =	sor.u32 s25, s23;
	s25 =	sshll.u32 s12, $0x2;
	s8 =	sor.u32 s10, s8  }
0xa0: {  	s10 =	sshll.u32 s13, $0x2;
	s12 =	sadd.s32 s4, s17;
	s13 =	sadd.s32 $0x140, s6  }
0xa1: {  	s23 =	sshrl.u32 s23, $0x2;
	s25 =	sand.u32 $0xFE00, s25;
	s8 =	sshrl.u32 s8, $0x2  }
0xa2: {  	s10 =	sand.u32 $0xFE00, s10;
	s12 =	sshll.u32 s12, $0x2;
	s13 =	sand.u32 $0x1C0, s13  }
0xa3: {  	s11 =	sor.u32 s11, s25;
	s25 =	sand.u32 $0x1C0, s22;
	s12 =	sand.u32 $0xFE00, s12  }
0xa4: {  	s22 =	sadd.s32 s4, s19;
	s4 =	sadd.s32 s4, s20;
	s10 =	sor.u32 s25, s10  }
0xa5: {  	s12 =	sor.u32 s13, s12;
	s13 =	sshrl.u32 s6, $0x2;
	s25 =	sshll.u32 s5, $0x2  }
0xa6: {  	s5 =	sadd.s32 $0x100, s6;
	s22 =	sshll.u32 s22, $0x2;
	s4 =	sshll.u32 s4, $0x2  }
0xa7: {  	v9 =	vmov s23;
	s23 =	sshrl.u32 s11, $0x2;
	s25 =	sand.u32 $0xFE00, s25;
	s5 =	sand.u32 $0x1C0, s5  }
0xa8: {  	v15 =	vmov s23;
	s5 =	sor.u32 s5, s25;
	s25 =	sadd.s32 $0x80, s6;
	s6 =	sadd.s32 $0xC0, s6  }
0xa9: {  	s22 =	sand.u32 $0xFE00, s22;
	s4 =	sand.u32 $0xFE00, s4;
	s6 =	sand.u32 $0x1C0, s6  }
0xaa: {  	v10 =	vmov s8;
	s25 =	sand.u32 $0x1C0, s25;
	s5 =	sshrl.u32 s5, $0x2;
	s4 =	sor.u32 s6, s4  }
0xab: {  	s22 =	sor.u32 s25, s22;
	s25 =	sshrl.u32 s12, $0x2;
	v13 =	vmov s5;
	s4 =	sshrl.u32 s4, $0x2  }
0xac: {  	s22 =	sshrl.u32 s22, $0x2;
	v14 =	vmov s25;
	v12 =	vmov s4;
	s4 =	simm.s32 $0x0  }
0xad: {  	s23 =	sadd.s32 $0x8, s3;
	v11 =	vmov s22;
	v22 =	vld.idx.msk [tilespmem:v15+s4+$0x0 ss:$0x1], $0xffff  }
0xae: {  	s13 =	sadd.s32 $0x1940, s13;
	s10 =	sshrl.u32 s10, $0x2;
	p3 =	slt.s32 s23, s1;
	v21 =	vld.idx.msk [tilespmem:v9+s4+$0x0 ss:$0x1], $0xffff  }
.Ltmp8:
0xaf: {  	v7 =	vmov s13;
	v8 =	vmov s10;
	v20 =	vld.idx.msk [tilespmem:v10+s4+$0x0 ss:$0x1], $0xffff;
	(pc) =	sbr.rel @!p3 .LBB2_16-.Ltmp8, $4  }
0xb0: {  	v19 =	vld.idx.msk [tilespmem:v13+s4+$0x0 ss:$0x1], $0xffff  }
0xb1: {  	v17 =	vld.idx.msk [tilespmem:v14+s4+$0x0 ss:$0x1], $0xffff  }
0xb2: {  	v16 =	vld.idx.msk [tilespmem:v11+s4+$0x0 ss:$0x1], $0xffff  }
0xb3: {  	p2 =	por $0x0, $0x0;
	v18 =	vld.idx.msk [tilespmem:v12+s4+$0x0 ss:$0x1], $0xffff;
	v22 =	vmul.f32 v22, v6  }
0xb4: {  	_ =	sdelay $0x3  }
0xb5: {  	s3 =	simm.s32 $0x80;
	v23 =	vmul.f32 v21, v6;
	v24 =	vld.idx.msk [tilespmem:v8+s4+$0x0 ss:$0x1], $0xffff  }
0xb6: {  	v26 =	vmul.f32 v20, v6;
	s23 =	sadd.s32 $0x8, s23;
	v25 =	vld.idx.msk [tilespmem:v15+s3+$0x0 ss:$0x1], $0xffff;
	[tilespmem:v7+s4+$0x30 ss:$0x1] =	vst.idx.msk $0xffff, v22  }
0xb7: {  	v21 =	vld.idx.msk [tilespmem:v9+s3+$0x0 ss:$0x1], $0xffff;
	p3 =	slt.s32 s23, s1;
	[tilespmem:v7+s4+$0xFFFFFFC0 ss:$0x1] =	vst.idx.msk $0xffff, v23;
	v63 =	vmul.f32 v17, v6  }
.Ltmp9:
0xb8: {  	v20 =	vld.idx.msk [tilespmem:v10+s3+$0x0 ss:$0x1], $0xffff;
	[tilespmem:v7+s4+$0xFFFFFFD0 ss:$0x1] =	vst.idx.msk $0xffff, v26;
	v22 =	vmul.f32 v16, v6;
	(pc) =	sbr.rel @!p3 .LBB2_25-.Ltmp9, $4  }
0xb9: {  	v17 =	vld.idx.msk [tilespmem:v14+s3+$0x0 ss:$0x1], $0xffff;
	v23 =	vmul.f32 v18, v6;
	[tilespmem:v7+s4+$0x10 ss:$0x1] =	vst.idx.msk $0xffff, v63  }
0xba: {  	v16 =	vld.idx.msk [tilespmem:v11+s3+$0x0 ss:$0x1], $0xffff;
	[tilespmem:v7+s4+$0xFFFFFFE0 ss:$0x1] =	vst.idx.msk $0xffff, v22;
	v22 =	vmul.f32 v19, v6  }
0xbb: {  	v18 =	vld.idx.msk [tilespmem:v12+s3+$0x0 ss:$0x1], $0xffff;
	[tilespmem:v7+s4+$0xFFFFFFF0 ss:$0x1] =	vst.idx.msk $0xffff, v23;
	v23 =	vmul.f32 v24, v6  }
0xbc: {  	s25 =	simm.s32 $0x400;
	p2 =	por $0x1, $0x1;
	v19 =	vld.idx.msk [tilespmem:v13+s3+$0x0 ss:$0x1], $0xffff;
	[tilespmem:v7+s4+$0x0 ss:$0x1] =	vst.idx.msk $0xffff, v22;
	v22 =	vmul.f32 v25, v6  }
.LBB2_24:
0xbd: {  	s23 =	sadd.s32 $0x8, s23;
	v24 =	vmul.f32 v21, v6;
	v25 =	vld.idx.msk [tilespmem:v8+s3+$0x0 ss:$0x1], $0xffff;
	[tilespmem:v7+s4+$0x20 ss:$0x1] =	vst.idx.msk $0xffff, v23;
	s4 =	smov.u32 s3;
	s3 =	sshra.s32 s25, $0x2  }
0xbe: {  	v23 =	vmul.f32 v20, v6;
	v26 =	vld.idx.msk [tilespmem:v15+s3+$0x0 ss:$0x1], $0xffff;
	p3 =	slt.s32 s23, s1;
	[tilespmem:v7+s4+$0x30 ss:$0x1] =	vst.idx.msk $0xffff, v22  }
0xbf: {  	v22 =	vmul.f32 v16, v6;
	v21 =	vld.idx.msk [tilespmem:v9+s3+$0x0 ss:$0x1], $0xffff;
	[tilespmem:v7+s4+$0xFFFFFFC0 ss:$0x1] =	vst.idx.msk $0xffff, v24  }
.Ltmp10:
0xc0: {  	v20 =	vld.idx.msk [tilespmem:v10+s3+$0x0 ss:$0x1], $0xffff;
	[tilespmem:v7+s4+$0xFFFFFFD0 ss:$0x1] =	vst.idx.msk $0xffff, v23;
	v23 =	vmul.f32 v18, v6;
	(pc) =	sbr.rel @p3 .LBB2_24-.Ltmp10, $4  }
0xc1: {  	v16 =	vld.idx.msk [tilespmem:v11+s3+$0x0 ss:$0x1], $0xffff;
	[tilespmem:v7+s4+$0xFFFFFFE0 ss:$0x1] =	vst.idx.msk $0xffff, v22;
	v22 =	vmul.f32 v19, v6  }
0xc2: {  	v24 =	vmul.f32 v17, v6;
	v18 =	vld.idx.msk [tilespmem:v12+s3+$0x0 ss:$0x1], $0xffff;
	[tilespmem:v7+s4+$0xFFFFFFF0 ss:$0x1] =	vst.idx.msk $0xffff, v23  }
0xc3: {  	v23 =	vmul.f32 v25, v6;
	v19 =	vld.idx.msk [tilespmem:v13+s3+$0x0 ss:$0x1], $0xffff;
	[tilespmem:v7+s4+$0x0 ss:$0x1] =	vst.idx.msk $0xffff, v22  }
0xc4: {  	s25 =	sadd.s32 $0x200, s25;
	v22 =	vmul.f32 v26, v6;
	v17 =	vld.idx.msk [tilespmem:v14+s3+$0x0 ss:$0x1], $0xffff;
	[tilespmem:v7+s4+$0x10 ss:$0x1] =	vst.idx.msk $0xffff, v24  }
.LBB2_25:
0xc5: {  	_ =	sdelay $0x3  }
0xc6: {  	v9 =	vmul.f32 v21, v6;
	[tilespmem:v7+s4+$0x20 ss:$0x1] =	vst.idx.msk @p2 $0xffff, v23  }
0xc7: {  	v8 =	vld.idx.msk [tilespmem:v8+s3+$0x0 ss:$0x1], $0xffff;
	v10 =	vmul.f32 v20, v6;
	[tilespmem:v7+s3+$0x30 ss:$0x1] =	vst.idx.msk $0xffff, v22  }
0xc8: {  	[tilespmem:v7+s3+$0xFFFFFFC0 ss:$0x1] =	vst.idx.msk $0xffff, v9;
	v60 =	vmul.f32 v16, v6  }
0xc9: {  	[tilespmem:v7+s3+$0xFFFFFFD0 ss:$0x1] =	vst.idx.msk $0xffff, v10;
	v61 =	vmul.f32 v18, v6  }
0xca: {  	[tilespmem:v7+s3+$0xFFFFFFE0 ss:$0x1] =	vst.idx.msk $0xffff, v60;
	v62 =	vmul.f32 v19, v6  }
0xcb: {  	v63 =	vmul.f32 v17, v6;
	[tilespmem:v7+s3+$0xFFFFFFF0 ss:$0x1] =	vst.idx.msk $0xffff, v61  }
0xcc: {  	v8 =	vmul.f32 v8, v6;
	[tilespmem:v7+s3+$0x0 ss:$0x1] =	vst.idx.msk $0xffff, v62  }
0xcd: {  	[tilespmem:v7+s3+$0x10 ss:$0x1] =	vst.idx.msk $0xffff, v63  }
0xce: {  	[tilespmem:v7+s3+$0x20 ss:$0x1] =	vst.idx.msk $0xffff, v8  }
.LBB2_17:
0xcf: {  	p2 =	sge.s32 s1, s31  }
.Ltmp11:
0xd0: {  	_ = 	snop;
	(pc) =	sbr.rel @p2 .LBB2_20-.Ltmp11, $1  }
0xd1: {  	_ =	sdelay $0x3  }
0xd2: {  	s0 =	ssub.s32 s0, s2  }
0xd3: {  	s1 =	sshll.u32 s31, $0x6;
	s2 =	sshll.u32 s0, $0x6  }
0xd4: {  	s1 =	ssub.s32 s1, s2  }
0xd5: {  	s31 =	sshll.u32 s31, $0x4;
	s3 =	sshll.u32 s0, $0x4;
	s1 =	sshra.s32 s1, $0x2  }
0xd6: {  	s2 =	ssub.s32 s31, s3;
	s1 =	sadd.s32 $0x1900, s1  }
.LBB2_19:
0xd7: {  	s3 =	sadd.s32 s2, s7  }
0xd8: {  	s4 =	sand.u32 $0x70, s2;
	s3 =	sand.u32 $0xFFFFFF80, s3  }
0xd9: {  	s3 =	sor.u32 s4, s3  }
0xda: {  	v7 =	vld [tilespmem:s3+$0x0];
	_ =	sdelay $0x1  }
0xdb: {  	p2 =	sne.s32 s0, $0x1  }
.Ltmp12:
0xdc: {  	_ = 	snop;
	(pc) =	sbr.rel @p2 .LBB2_19-.Ltmp12, $3  }
0xdd: {  	_ = 	snop  }
0xde: {  	v7 =	vmul.f32 v7, v6;
	_ =	sdelay $0x1  }
0xdf: {  	s2 =	sadd.s32 $0x10, s2;
	s0 =	sadd.s32 $0xFFFFFFFF, s0;
	[tilespmem:s1+$0x0] =	vst v7;
	s1 =	sadd.s32 $0x10, s1  }
.Ltmp13:
0xe0: {  	_ = 	snop;
	(pc) =	sbr.rel .LBB2_20-.Ltmp13, $1  }
0xe1: {  	_ =	sdelay $0x3  }
.LBB2_16:
.Ltmp14:
0xe2: {  	(pc) =	sbr.rel .LBB2_25-.Ltmp14, $2  }
0xe3: {  	_ =	sdelay $0x2  }
0xe4: {  	s3 =	simm.s32 $0x0  }
.LBB2_10:
0xe5: {  	(xrf0) =	vmax.scan.msk.f32 $0xffff, v8;
	_ =	sdelay $0x5  }
0xe6: {  	v8, _, _ =	vpop (xrf0)  }
0xe7: {  	(v2sf) =	vpush v8, $0xF;
	_ =	sdelay $0xe  }
0xe8: {  	s29 =	spop (v2sf)  }
.LBB2_11:
0xe9: {  	v8 =	vmov s1;
	s1 =	sadd.s32 $0x1, s1  }
0xea: {  	p2 =	sne.s32 s1, s2  }
.Ltmp15:
0xeb: {  	_ = 	snop;
	(pc) =	sbr.rel @!p2 .LBB2_12-.Ltmp15, $3  }
0xec: {  	_ =	sdelay $0x1  }
0xed: {  	vm0 =	veq.s32 v8, v5  }
0xee: {  	v7 =	vsel vm0, s29, v7  }
.LBB2_2:
0xef: {  	v8 =	vadd.s32 s1, v4;
	_ =	sdelay $0x4  }
0xf0: {  	v8 =	vld.idx.msk [tilespmem:v8+s21+$0x0], $0xffff;
	_ =	sdelay $0x4  }
0xf1: {  	v8 =	vsub.s32 v8, v0  }
0xf2: {  	(v2sf) =	vpush v8, $0x0;
	_ =	sdelay $0x2  }
0xf3: {  	(v2sf) =	vpush v8, $0x1;
	_ =	sdelay $0xb  }
0xf4: {  	s3 =	spop (v2sf)  }
0xf5: {  	p2 =	sgt.s32 s3, $0x0;
	s29 =	smov.u32 s3  }
0xf6: {  	s29 =	simm.s32 @!p2 $0x0  }
0xf7: {  	s4 =	spop (v2sf);
	s23 =	smin.u32 s0, s29  }
0xf8: {  	p2 =	sgt.s32 s23, s4  }
0xf9: {  	s4 =	smov.u32 @p2 s23  }
0xfa: {  	s25 =	smin.u32 s0, s4  }
0xfb: {  	p2 =	sge.u32 s29, s25  }
.Ltmp16:
0xfc: {  	_ = 	snop;
	(pc) =	sbr.rel @p2 .LBB2_11-.Ltmp16, $2  }
0xfd: {  	_ =	sdelay $0x2  }
0xfe: {  	s29 =	simm.f32 $-Inf  }
0xff: {  	s29 =	sadd.s32 $0xFFFFFFFF, s25  }
0x100: {  	s31 =	sand.u32 $0xF, s23;
	s30 =	sand.u32 $0xF, s29  }
0x101: {  	p2 =	slt.u32 s4, $0x2;
	p4 =	slt.s32 s3, $0x1;
	p3 =	sne.s32 s30, $0x0  }
0x102: {  	s3 =	simm.s32 $0xFFFFFFFF;
	p6 =	sne.s32 s31, $0x0;
	p2 =	por !p2, !p3  }
0x103: {  	s4 =	simm.s32 $0xFFFFFFFF;
	p3 =	por !p4, !p6;
	p2 =	por !p2, !p2  }
0x104: {  	s13 =	sadd.s32 $0xF, s23;
	p3 =	por !p3, !p3;
	s3 =	simm.s32 @!p2 $0x0  }
0x105: {  	s22 =	sshrl.u32 s25, $0x4;
	s4 =	simm.s32 @!p3 $0x0;
	s3 =	sshll.u32 s3, $0x4  }
0x106: {  	s31 =	sshrl.u32 s13, $0x4;
	s4 =	sshll.u32 s4, $0x4;
	s3 =	sadd.s32 s29, s3  }
0x107: {  	s4 =	sadd.s32 s23, s4;
	s29 =	sand.u32 $0xFFFFFFF0, s3;
	s3 =	smax.u32 s31, s22  }
0x108: {  	s30 =	sand.u32 $0xFFFFFFF0, s4;
	s4 =	ssub.s32 s3, s31  }
0x109: {  	v8 =	vld [tilespmem:s29+$0x0];
	v10 =	vor.u32 s29, v5;
	s29 =	sshrl.u32 s4, $0x1D  }
0x10a: {  	s29 =	sadd.s32 s29, s4  }
0x10b: {  	v9 =	vld [tilespmem:s30+$0x0];
	s29 =	sand.u32 $0xFFFFFFF8, s29  }
0x10c: {  	p2 =	slt.s32 s29, $0x1  }
.Ltmp17:
0x10d: {  	vm0 =	vge.s32 v10, s23;
	vm1 =	vlt.s32 v10, s25;
	(pc) =	sbr.rel @p2 .LBB2_7-.Ltmp17, $4  }
0x10e: {  	v10 =	vor.u32 s30, v5;
	vm0 =	vmand vm0, vm1  }
0x10f: {  	vm14 =	vge.s32 v10, s23;
	vm2 =	vlt.s32 v10, s25;
	v8 =	vnsel vm0, $0xFF800000, v8  }
0x110: {  	vm15 =	vmand vm14, vm2;
	v9 =	vmax.f32 v9, v8  }
0x111: {  	s30 =	sadd.s32 s31, s29;
	v8 =	vsel vm15, v9, v8  }
0x112: {  	s23 =	sshll.u32 s31, $0x4  }
0x113: {  	s25 =	sadd.s32 $0x40, s23  }
0x114: {  	v11 =	vld [tilespmem:s25+$0xFFFFFFC0]  }
0x115: {  	s23 =	sadd.s32 $0x8, s31;
	v12 =	vld [tilespmem:s25+$0xFFFFFFD0]  }
0x116: {  	v13 =	vld [tilespmem:s25+$0xFFFFFFE0];
	p2 =	slt.s32 s23, s30  }
.Ltmp18:
0x117: {  	v10 =	vld [tilespmem:s25+$0xFFFFFFF0];
	(pc) =	sbr.rel @!p2 .LBB2_6-.Ltmp18, $4  }
0x118: {  	v9 =	vld [tilespmem:s25+$0x0]  }
0x119: {  	v11 =	vmax.f32 v8, v11;
	v8 =	vld [tilespmem:s25+$0x10]  }
0x11a: {  	v12 =	vmax.f32 v11, v12;
	v11 =	vld [tilespmem:s25+$0x20]  }
0x11b: {  	v13 =	vmax.f32 v12, v13;
	v12 =	vld [tilespmem:s25+$0x30];
	s25 =	sadd.s32 $0x80, s25  }
.LBB2_5:
0x11c: {  	v14 =	vld [tilespmem:s25+$0xFFFFFFC0];
	s23 =	sadd.s32 $0x8, s23;
	v10 =	vmax.f32 v13, v10  }
0x11d: {  	v13 =	vld [tilespmem:s25+$0xFFFFFFD0];
	p2 =	slt.s32 s23, s30;
	v9 =	vmax.f32 v10, v9  }
0x11e: {  	v15 =	vld [tilespmem:s25+$0xFFFFFFE0];
	v8 =	vmax.f32 v9, v8  }
.Ltmp19:
0x11f: {  	v10 =	vld [tilespmem:s25+$0xFFFFFFF0];
	v8 =	vmax.f32 v8, v11;
	(pc) =	sbr.rel @p2 .LBB2_5-.Ltmp19, $4  }
0x120: {  	v9 =	vld [tilespmem:s25+$0x0];
	v8 =	vmax.f32 v8, v12  }
0x121: {  	v11 =	vmax.f32 v8, v14;
	v8 =	vld [tilespmem:s25+$0x10]  }
0x122: {  	v12 =	vmax.f32 v11, v13;
	v11 =	vld [tilespmem:s25+$0x20]  }
0x123: {  	v13 =	vmax.f32 v12, v15;
	v12 =	vld [tilespmem:s25+$0x30];
	s25 =	sadd.s32 $0x80, s25  }
.LBB2_6:
0x124: {  	v10 =	vmax.f32 v13, v10  }
0x125: {  	v9 =	vmax.f32 v10, v9  }
0x126: {  	v8 =	vmax.f32 v9, v8  }
0x127: {  	v8 =	vmax.f32 v8, v11  }
0x128: {  	v8 =	vmax.f32 v8, v12  }
.LBB2_7:
0x129: {  	p2 =	sge.s32 s30, s3  }
.Ltmp20:
0x12a: {  	_ = 	snop;
	(pc) =	sbr.rel @p2 .LBB2_10-.Ltmp20, $1  }
0x12b: {  	_ =	sdelay $0x3  }
0x12c: {  	s4 =	ssub.s32 s4, s29  }
0x12d: {  	s3 =	sshll.u32 s3, $0x6;
	s23 =	sshll.u32 s4, $0x6  }
0x12e: {  	s3 =	ssub.s32 s3, s23  }
0x12f: {  	s3 =	sshra.s32 s3, $0x2  }
.LBB2_9:
0x130: {  	v9 =	vld [tilespmem:s3+$0x0];
	p2 =	sne.s32 s4, $0x1  }
.Ltmp21:
0x131: {  	_ = 	snop;
	(pc) =	sbr.rel @p2 .LBB2_9-.Ltmp21, $2  }
0x132: {  	_ =	sdelay $0x2  }
0x133: {  	s3 =	sadd.s32 $0x10, s3;
	s4 =	sadd.s32 $0xFFFFFFFF, s4;
	v8 =	vmax.f32 v8, v9  }
.Ltmp22:
0x134: {  	_ = 	snop;
	(pc) =	sbr.rel .LBB2_10-.Ltmp22, $1  }
0x135: {  	_ =	sdelay $0x3  }
.LBB2_22:
0x136: {  	_ =	sfence.sel $0x180000  }
0x137: {  	[bflag:$0x0] =	sbarrier.arrive $0xFFFF  }
0x138: {  	_ =	strace $0x90000047  }
0x139: {  	s0 =	stileid.u32;
	[bflag:$0x2] =	sbarrier.arrive $0xFFFF  }
0x13a: {  	p0 =	sne.s32 s0, $0x0;
	s0 =	rddreg [dreg:$0x4]  }
0x13b: {  	s0 =	sadd.s32 @!p0 $0x100000, s0  }
0x13c: {  	[sflag:s0] =	ssyncadd.tile.s32 @!p0 $0x1;
	_ =	shalt  }
.Lfunc_end2:
_tile_overlayer_lowered:
.L_overlay_start_2:
0x13d: {  	(tag) =	ssettag $0x2  }
0x13e: {  	s0 =	rddreg [dreg:$0x0];
	s2 =	stileid.u32  }
0x13f: {  	s1 =	rddreg [dreg:$0x1];
	p0 =	sne.s32 s2, $0x0  }
0x140: {  	s3 =	rddreg [dreg:$0x2];
	[bflag:$0x3] =	sbarrier.arrive $0xFFFF;
	s2 =	simm.s32 @!p0 $0x1C02  }
0x141: {  	[timem:s3], [sflag:s2] =	dma.local @!p0 [hbm:s0], s1  }
0x142: {  	s0 =	simm.s32 @!p0 $0x2  }
0x143: {  	_ =	swait.ge @!p0 [sflag:s0], s1  }
0x144: {  	s1 =	ssub.s32 @!p0 $0x0, s1;
	[sflag:s0] =	ssyncset.done @!p0 $0x0  }
0x145: {  	[sflag:s0] =	ssyncadd.s32 @!p0 s1  }
0x146: {  	[bflag:$0x3] =	sbarrier.arrive $0xFFFF  }
0x147: {  	_ =	shalt  }

</sc_bundles>
